<compile_context>
chip_gen: v7x
topology: tpu7x:2x2x1
jax: 0.10.2.dev20260603
libtpu: 0.0.44.dev20260713+nightly
codegen_flags: <defaults>
</compile_context>

<pallas_src>
import dataclasses

import jax
import jax.numpy as jnp
from jax import lax
from jax.experimental import pallas as pl
from jax.experimental.pallas import tpu as pltpu
from jax.experimental.pallas import tpu_sc as plsc

N_CLASSES = 1000
BATCH = 16384
NUM_WORKERS = 32
ROWS_PER_WORKER = BATCH // NUM_WORKERS
BLOCK_ROWS = 32
NUM_BLOCKS = ROWS_PER_WORKER // BLOCK_ROWS
LANES = 16


def _onehot(x):
    mesh = plsc.VectorSubcoreMesh(core_axis_name="c", subcore_axis_name="s")
    cp = pltpu.CompilerParams()
    if "needs_layout_passes" in pltpu.CompilerParams.__dataclass_fields__:
        cp = dataclasses.replace(cp, needs_layout_passes=False)
    if "use_tc_tiling_on_sc" in pltpu.CompilerParams.__dataclass_fields__:
        cp = dataclasses.replace(cp, use_tc_tiling_on_sc=True)

    @pl.kernel(
        compiler_params=cp,
        out_type=jax.ShapeDtypeStruct((BATCH, N_CLASSES), jnp.float32),
        mesh=mesh,
        scratch_types=[
            pltpu.VMEM((ROWS_PER_WORKER,), jnp.int32),
            pltpu.VMEM((BLOCK_ROWS, N_CLASSES), jnp.float32),
            pltpu.VMEM((BLOCK_ROWS, N_CLASSES), jnp.float32),
            pltpu.SemaphoreType.DMA,
            pltpu.SemaphoreType.DMA,
        ],
    )
    def body(x_hbm, out_hbm, idx_v, buf_a, buf_b, sem_a, sem_b):
        wid = lax.axis_index("s") * 2 + lax.axis_index("c")
        row0 = wid * ROWS_PER_WORKER

        pltpu.sync_copy(x_hbm.at[pl.ds(row0, ROWS_PER_WORKER)], idx_v)

        zeros16 = jnp.zeros((LANES,), jnp.float32)
        ones16 = jnp.ones((LANES,), jnp.float32)
        lane_iota = lax.iota(jnp.int32, LANES)

        @pl.loop(0, BLOCK_ROWS)
        def _(r):
            for c in list(range(0, N_CLASSES - LANES, LANES)) + [N_CLASSES - LANES]:
                buf_a[r, pl.ds(c, LANES)] = zeros16
                buf_b[r, pl.ds(c, LANES)] = zeros16

        def poke(buf, b, val16):
            for j in range(BLOCK_ROWS // LANES):
                cols = idx_v[pl.ds(b * BLOCK_ROWS + j * LANES, LANES)]
                rows = lane_iota + j * LANES
                plsc.store_scatter(buf, [rows, cols], val16)

        def start(buf, b, sem):
            dst = out_hbm.at[pl.ds(row0 + b * BLOCK_ROWS, BLOCK_ROWS)]
            pltpu.async_copy(buf, dst, sem)

        def wait(buf, sem):
            dst = out_hbm.at[pl.ds(row0, BLOCK_ROWS)]
            pltpu.make_async_copy(buf, dst, sem).wait()

        poke(buf_a, 0, ones16)
        start(buf_a, 0, sem_a)
        poke(buf_b, 1, ones16)
        start(buf_b, 1, sem_b)

        @pl.loop(0, NUM_BLOCKS // 2 - 1)
        def _(i):
            b = 2 * i
            wait(buf_a, sem_a)
            poke(buf_a, b, zeros16)
            poke(buf_a, b + 2, ones16)
            start(buf_a, b + 2, sem_a)
            wait(buf_b, sem_b)
            poke(buf_b, b + 1, zeros16)
            poke(buf_b, b + 3, ones16)
            start(buf_b, b + 3, sem_b)

        wait(buf_a, sem_a)
        wait(buf_b, sem_b)

    return body(x)


def kernel(x):
    return _onehot(x.astype(jnp.int32))

# --- scband reference (transcript-rebuilt; emitter-appended) ---
"""Pipeline reference for scband-one-hot-encoder-layer-66795331387992 (READ-ONLY COPY).

The authoritative reference and input builder live on the scoring server;
editing this copy changes nothing except your own understanding.
"""

import jax, jax.numpy as jnp
import numpy as np

N_CLASSES = 1000
BATCH = 16384

def setup_inputs(seed: int = 0) -> dict:
    key = jax.random.key(seed)
    x = jax.random.randint(key, (BATCH,), 0, N_CLASSES, dtype=jnp.int64 if jax.config.jax_enable_x64 else jnp.int32)
    return {"x": x}

def reference(x) -> jnp.ndarray:
    # Faithful translation of:
    #   one_hot = torch.zeros(B, n_classes); one_hot.scatter_(1, x.unsqueeze(1), 1)
    x = x.astype(jnp.int32)
    one_hot = jnp.zeros((x.shape[0], N_CLASSES), dtype=jnp.float32)
    rows = jnp.arange(x.shape[0], dtype=jnp.int32)
    one_hot = one_hot.at[rows, x].set(1.0)
    return one_hot

if __name__ == "__main__":
    import jax
    _d = setup_inputs()
    print(jax.jit(kernel)(*tuple(_d.values())))

</pallas_src>

<mosaic_0001>
#map = affine_map<(d0, d1) -> (0)>
#map1 = affine_map<(d0, d1) -> (0, 0)>
module attributes {stable_mosaic.version = 14 : i64} {
  func.func @body(%arg0: i32, %arg1: i32, %arg2: memref<16384xi32, #tpu.memory_space<hbm>>, %arg3: memref<16384x1000xf32, #tpu.memory_space<hbm>>, %arg4: memref<512xi32, #tpu.memory_space<vmem>>, %arg5: memref<32x1000xf32, #tpu.memory_space<vmem>>, %arg6: memref<32x1000xf32, #tpu.memory_space<vmem>>, %arg7: memref<!tpu.dma_semaphore, #tpu.memory_space<semaphore_mem>>, %arg8: memref<!tpu.dma_semaphore, #tpu.memory_space<semaphore_mem>>) attributes {dimension_semantics = [#tpu.dimension_semantics<core_parallel>, #tpu.dimension_semantics<subcore_parallel>], iteration_bounds = array<i64: 2, 16>, scalar_prefetch = 0 : i64, scratch_operands = 5 : i64, tpu.core_type = #tpu.core_type<sc_vector_subcore>, window_params = [{transform_indices = #map}, {transform_indices = #map1}]} {
    %mul3A = arith.constant 2 : i32
    %mul3A_0 = arith.muli %arg1, %mul3A : i32
    %add3A = arith.addi %mul3A_0, %arg0 : i32
    %mul3A_1 = arith.constant 512 : i32
    %mul3A_2 = arith.muli %add3A, %mul3A_1 : i32
    "tpu.region"() ({
      %run_scoped3A = tpu.sem_alloc : memref<!tpu.dma_semaphore, #tpu.memory_space<semaphore_mem>>
      %dma_start3A_52 = tpu.memref_slice %arg2[%mul3A_2] : memref<16384xi32, #tpu.memory_space<hbm>> -> memref<512xi32, #tpu.memory_space<hbm>>
      %dma_start3A_53 = tpu.memref_slice %arg2[%mul3A_2] : memref<16384xi32, #tpu.memory_space<hbm>> -> memref<512xi32, #tpu.memory_space<hbm>>
      tpu.enqueue_dma source(%dma_start3A_53 : memref<512xi32, #tpu.memory_space<hbm>>) target(%arg4 : memref<512xi32, #tpu.memory_space<vmem>>) target_semaphore(%run_scoped3A : memref<!tpu.dma_semaphore, #tpu.memory_space<semaphore_mem>>)
      %dma_wait3A_54 = tpu.memref_slice %arg2[%mul3A_2] : memref<16384xi32, #tpu.memory_space<hbm>> -> memref<512xi32, #tpu.memory_space<hbm>>
      %dma_wait3A_55 = tpu.memref_slice %arg2[%mul3A_2] : memref<16384xi32, #tpu.memory_space<hbm>> -> memref<512xi32, #tpu.memory_space<hbm>>
      tpu.wait_dma2 semaphore(%run_scoped3A : memref<!tpu.dma_semaphore, #tpu.memory_space<semaphore_mem>>) src(%dma_wait3A_55 : memref<512xi32, #tpu.memory_space<hbm>>) dst(%arg4 : memref<512xi32, #tpu.memory_space<vmem>>)
      tpu.yield
    }) : () -> ()
    %broadcast_in_dim3A = arith.constant 0.000000e+00 : f32
    %broadcast_in_dim3A_3 = vector.broadcast %broadcast_in_dim3A : f32 to vector<16xf32>
    %broadcast_in_dim3A_4 = arith.constant 1.000000e+00 : f32
    %broadcast_in_dim3A_5 = vector.broadcast %broadcast_in_dim3A_4 : f32 to vector<16xf32>
    %iota3A = tpu.iota {dimensions = array<i32: 0>} : vector<16xi32>
    %scan3A = arith.constant 0 : i32
    %scan3A_6 = arith.constant 32 : i32
    %scan3A_7 = arith.addi %scan3A, %scan3A_6 : i32
    %scan3A_8 = arith.constant 1 : i32
    scf.for %scan3A_52 = %scan3A to %scan3A_7 step %scan3A_8  : i32 {
      %mul3A_53 = arith.constant 1 : i32
      %mul3A_54 = arith.muli %scan3A_52, %mul3A_53 : i32
      %add3A_55 = arith.constant 0 : i32
      %add3A_56 = arith.addi %add3A_55, %mul3A_54 : i32
      %swap3A = arith.index_cast %add3A_56 : i32 to index
      %swap3A_57 = arith.constant 0 : index
      %swap3A_58 = tpu.vector_load %arg5[%swap3A, %swap3A_57] {strides = array<i32>} : memref<32x1000xf32, #tpu.memory_space<vmem>>, vector<16xf32>,
      tpu.vector_store %arg5[%swap3A, %swap3A_57], %broadcast_in_dim3A_3 {strides = array<i32>} : memref<32x1000xf32, #tpu.memory_space<vmem>>, vector<16xf32>,
      %swap3A_59 = arith.index_cast %add3A_56 : i32 to index
      %swap3A_60 = arith.constant 0 : index
      %swap3A_61 = tpu.vector_load %arg6[%swap3A_59, %swap3A_60] {strides = array<i32>} : memref<32x1000xf32, #tpu.memory_space<vmem>>, vector<16xf32>,
      tpu.vector_store %arg6[%swap3A_59, %swap3A_60], %broadcast_in_dim3A_3 {strides = array<i32>} : memref<32x1000xf32, #tpu.memory_space<vmem>>, vector<16xf32>,
      %swap3A_62 = arith.index_cast %add3A_56 : i32 to index
      %swap3A_63 = arith.constant 16 : index
      %swap3A_64 = tpu.vector_load %arg5[%swap3A_62, %swap3A_63] {strides = array<i32>} : memref<32x1000xf32, #tpu.memory_space<vmem>>, vector<16xf32>,
      tpu.vector_store %arg5[%swap3A_62, %swap3A_63], %broadcast_in_dim3A_3 {strides = array<i32>} : memref<32x1000xf32, #tpu.memory_space<vmem>>, vector<16xf32>,
      %swap3A_65 = arith.index_cast %add3A_56 : i32 to index
      %swap3A_66 = arith.constant 16 : index
      %swap3A_67 = tpu.vector_load %arg6[%swap3A_65, %swap3A_66] {strides = array<i32>} : memref<32x1000xf32, #tpu.memory_space<vmem>>, vector<16xf32>,
      tpu.vector_store %arg6[%swap3A_65, %swap3A_66], %broadcast_in_dim3A_3 {strides = array<i32>} : memref<32x1000xf32, #tpu.memory_space<vmem>>, vector<16xf32>,
      %swap3A_68 = arith.index_cast %add3A_56 : i32 to index
      %swap3A_69 = arith.constant 32 : index
      %swap3A_70 = tpu.vector_load %arg5[%swap3A_68, %swap3A_69] {strides = array<i32>} : memref<32x1000xf32, #tpu.memory_space<vmem>>, vector<16xf32>,
      tpu.vector_store %arg5[%swap3A_68, %swap3A_69], %broadcast_in_dim3A_3 {strides = array<i32>} : memref<32x1000xf32, #tpu.memory_space<vmem>>, vector<16xf32>,
      %swap3A_71 = arith.index_cast %add3A_56 : i32 to index
      %swap3A_72 = arith.constant 32 : index
      %swap3A_73 = tpu.vector_load %arg6[%swap3A_71, %swap3A_72] {strides = array<i32>} : memref<32x1000xf32, #tpu.memory_space<vmem>>, vector<16xf32>,
      tpu.vector_store %arg6[%swap3A_71, %swap3A_72], %broadcast_in_dim3A_3 {strides = array<i32>} : memref<32x1000xf32, #tpu.memory_space<vmem>>, vector<16xf32>,
      %swap3A_74 = arith.index_cast %add3A_56 : i32 to index
      %swap3A_75 = arith.constant 48 : index
      %swap3A_76 = tpu.vector_load %arg5[%swap3A_74, %swap3A_75] {strides = array<i32>} : memref<32x1000xf32, #tpu.memory_space<vmem>>, vector<16xf32>,
      tpu.vector_store %arg5[%swap3A_74, %swap3A_75], %broadcast_in_dim3A_3 {strides = array<i32>} : memref<32x1000xf32, #tpu.memory_space<vmem>>, vector<16xf32>,
      %swap3A_77 = arith.index_cast %add3A_56 : i32 to index
      %swap3A_78 = arith.constant 48 : index
      %swap3A_79 = tpu.vector_load %arg6[%swap3A_77, %swap3A_78] {strides = array<i32>} : memref<32x1000xf32, #tpu.memory_space<vmem>>, vector<16xf32>,
      tpu.vector_store %arg6[%swap3A_77, %swap3A_78], %broadcast_in_dim3A_3 {strides = array<i32>} : memref<32x1000xf32, #tpu.memory_space<vmem>>, vector<16xf32>,
      %swap3A_80 = arith.index_cast %add3A_56 : i32 to index
      %swap3A_81 = arith.constant 64 : index
      %swap3A_82 = tpu.vector_load %arg5[%swap3A_80, %swap3A_81] {strides = array<i32>} : memref<32x1000xf32, #tpu.memory_space<vmem>>, vector<16xf32>,
      tpu.vector_store %arg5[%swap3A_80, %swap3A_81], %broadcast_in_dim3A_3 {strides = array<i32>} : memref<32x1000xf32, #tpu.memory_space<vmem>>, vector<16xf32>,
      %swap3A_83 = arith.index_cast %add3A_56 : i32 to index
      %swap3A_84 = arith.constant 64 : index
      %swap3A_85 = tpu.vector_load %arg6[%swap3A_83, %swap3A_84] {strides = array<i32>} : memref<32x1000xf32, #tpu.memory_space<vmem>>, vector<16xf32>,
      tpu.vector_store %arg6[%swap3A_83, %swap3A_84], %broadcast_in_dim3A_3 {strides = array<i32>} : memref<32x1000xf32, #tpu.memory_space<vmem>>, vector<16xf32>,
      %swap3A_86 = arith.index_cast %add3A_56 : i32 to index
      %swap3A_87 = arith.constant 80 : index
      %swap3A_88 = tpu.vector_load %arg5[%swap3A_86, %swap3A_87] {strides = array<i32>} : memref<32x1000xf32, #tpu.memory_space<vmem>>, vector<16xf32>,
      tpu.vector_store %arg5[%swap3A_86, %swap3A_87], %broadcast_in_dim3A_3 {strides = array<i32>} : memref<32x1000xf32, #tpu.memory_space<vmem>>, vector<16xf32>,
      %swap3A_89 = arith.index_cast %add3A_56 : i32 to index
      %swap3A_90 = arith.constant 80 : index
      %swap3A_91 = tpu.vector_load %arg6[%swap3A_89, %swap3A_90] {strides = array<i32>} : memref<32x1000xf32, #tpu.memory_space<vmem>>, vector<16xf32>,
      tpu.vector_store %arg6[%swap3A_89, %swap3A_90], %broadcast_in_dim3A_3 {strides = array<i32>} : memref<32x1000xf32, #tpu.memory_space<vmem>>, vector<16xf32>,
      %swap3A_92 = arith.index_cast %add3A_56 : i32 to index
      %swap3A_93 = arith.constant 96 : index
      %swap3A_94 = tpu.vector_load %arg5[%swap3A_92, %swap3A_93] {strides = array<i32>} : memref<32x1000xf32, #tpu.memory_space<vmem>>, vector<16xf32>,
      tpu.vector_store %arg5[%swap3A_92, %swap3A_93], %broadcast_in_dim3A_3 {strides = array<i32>} : memref<32x1000xf32, #tpu.memory_space<vmem>>, vector<16xf32>,
      %swap3A_95 = arith.index_cast %add3A_56 : i32 to index
      %swap3A_96 = arith.constant 96 : index
      %swap3A_97 = tpu.vector_load %arg6[%swap3A_95, %swap3A_96] {strides = array<i32>} : memref<32x1000xf32, #tpu.memory_space<vmem>>, vector<16xf32>,
      tpu.vector_store %arg6[%swap3A_95, %swap3A_96], %broadcast_in_dim3A_3 {strides = array<i32>} : memref<32x1000xf32, #tpu.memory_space<vmem>>, vector<16xf32>,
      %swap3A_98 = arith.index_cast %add3A_56 : i32 to index
      %swap3A_99 = arith.constant 112 : index
      %swap3A_100 = tpu.vector_load %arg5[%swap3A_98, %swap3A_99] {strides = array<i32>} : memref<32x1000xf32, #tpu.memory_space<vmem>>, vector<16xf32>,
      tpu.vector_store %arg5[%swap3A_98, %swap3A_99], %broadcast_in_dim3A_3 {strides = array<i32>} : memref<32x1000xf32, #tpu.memory_space<vmem>>, vector<16xf32>,
      %swap3A_101 = arith.index_cast %add3A_56 : i32 to index
      %swap3A_102 = arith.constant 112 : index
      %swap3A_103 = tpu.vector_load %arg6[%swap3A_101, %swap3A_102] {strides = array<i32>} : memref<32x1000xf32, #tpu.memory_space<vmem>>, vector<16xf32>,
      tpu.vector_store %arg6[%swap3A_101, %swap3A_102], %broadcast_in_dim3A_3 {strides = array<i32>} : memref<32x1000xf32, #tpu.memory_space<vmem>>, vector<16xf32>,
      %swap3A_104 = arith.index_cast %add3A_56 : i32 to index
      %swap3A_105 = arith.constant 128 : index
      %swap3A_106 = tpu.vector_load %arg5[%swap3A_104, %swap3A_105] {strides = array<i32>} : memref<32x1000xf32, #tpu.memory_space<vmem>>, vector<16xf32>,
      tpu.vector_store %arg5[%swap3A_104, %swap3A_105], %broadcast_in_dim3A_3 {strides = array<i32>} : memref<32x1000xf32, #tpu.memory_space<vmem>>, vector<16xf32>,
      %swap3A_107 = arith.index_cast %add3A_56 : i32 to index
      %swap3A_108 = arith.constant 128 : index
      %swap3A_109 = tpu.vector_load %arg6[%swap3A_107, %swap3A_108] {strides = array<i32>} : memref<32x1000xf32, #tpu.memory_space<vmem>>, vector<16xf32>,
      tpu.vector_store %arg6[%swap3A_107, %swap3A_108], %broadcast_in_dim3A_3 {strides = array<i32>} : memref<32x1000xf32, #tpu.memory_space<vmem>>, vector<16xf32>,
      %swap3A_110 = arith.index_cast %add3A_56 : i32 to index
      %swap3A_111 = arith.constant 144 : index
      %swap3A_112 = tpu.vector_load %arg5[%swap3A_110, %swap3A_111] {strides = array<i32>} : memref<32x1000xf32, #tpu.memory_space<vmem>>, vector<16xf32>,
      tpu.vector_store %arg5[%swap3A_110, %swap3A_111], %broadcast_in_dim3A_3 {strides = array<i32>} : memref<32x1000xf32, #tpu.memory_space<vmem>>, vector<16xf32>,
      %swap3A_113 = arith.index_cast %add3A_56 : i32 to index
      %swap3A_114 = arith.constant 144 : index
      %swap3A_115 = tpu.vector_load %arg6[%swap3A_113, %swap3A_114] {strides = array<i32>} : memref<32x1000xf32, #tpu.memory_space<vmem>>, vector<16xf32>,
      tpu.vector_store %arg6[%swap3A_113, %swap3A_114], %broadcast_in_dim3A_3 {strides = array<i32>} : memref<32x1000xf32, #tpu.memory_space<vmem>>, vector<16xf32>,
      %swap3A_116 = arith.index_cast %add3A_56 : i32 to index
      %swap3A_117 = arith.constant 160 : index
      %swap3A_118 = tpu.vector_load %arg5[%swap3A_116, %swap3A_117] {strides = array<i32>} : memref<32x1000xf32, #tpu.memory_space<vmem>>, vector<16xf32>,
      tpu.vector_store %arg5[%swap3A_116, %swap3A_117], %broadcast_in_dim3A_3 {strides = array<i32>} : memref<32x1000xf32, #tpu.memory_space<vmem>>, vector<16xf32>,
      %swap3A_119 = arith.index_cast %add3A_56 : i32 to index
      %swap3A_120 = arith.constant 160 : index
      %swap3A_121 = tpu.vector_load %arg6[%swap3A_119, %swap3A_120] {strides = array<i32>} : memref<32x1000xf32, #tpu.memory_space<vmem>>, vector<16xf32>,
      tpu.vector_store %arg6[%swap3A_119, %swap3A_120], %broadcast_in_dim3A_3 {strides = array<i32>} : memref<32x1000xf32, #tpu.memory_space<vmem>>, vector<16xf32>,
      %swap3A_122 = arith.index_cast %add3A_56 : i32 to index
      %swap3A_123 = arith.constant 176 : index
      %swap3A_124 = tpu.vector_load %arg5[%swap3A_122, %swap3A_123] {strides = array<i32>} : memref<32x1000xf32, #tpu.memory_space<vmem>>, vector<16xf32>,
      tpu.vector_store %arg5[%swap3A_122, %swap3A_123], %broadcast_in_dim3A_3 {strides = array<i32>} : memref<32x1000xf32, #tpu.memory_space<vmem>>, vector<16xf32>,
      %swap3A_125 = arith.index_cast %add3A_56 : i32 to index
      %swap3A_126 = arith.constant 176 : index
      %swap3A_127 = tpu.vector_load %arg6[%swap3A_125, %swap3A_126] {strides = array<i32>} : memref<32x1000xf32, #tpu.memory_space<vmem>>, vector<16xf32>,
      tpu.vector_store %arg6[%swap3A_125, %swap3A_126], %broadcast_in_dim3A_3 {strides = array<i32>} : memref<32x1000xf32, #tpu.memory_space<vmem>>, vector<16xf32>,
      %swap3A_128 = arith.index_cast %add3A_56 : i32 to index
      %swap3A_129 = arith.constant 192 : index
      %swap3A_130 = tpu.vector_load %arg5[%swap3A_128, %swap3A_129] {strides = array<i32>} : memref<32x1000xf32, #tpu.memory_space<vmem>>, vector<16xf32>,
      tpu.vector_store %arg5[%swap3A_128, %swap3A_129], %broadcast_in_dim3A_3 {strides = array<i32>} : memref<32x1000xf32, #tpu.memory_space<vmem>>, vector<16xf32>,
      %swap3A_131 = arith.index_cast %add3A_56 : i32 to index
      %swap3A_132 = arith.constant 192 : index
      %swap3A_133 = tpu.vector_load %arg6[%swap3A_131, %swap3A_132] {strides = array<i32>} : memref<32x1000xf32, #tpu.memory_space<vmem>>, vector<16xf32>,
      tpu.vector_store %arg6[%swap3A_131, %swap3A_132], %broadcast_in_dim3A_3 {strides = array<i32>} : memref<32x1000xf32, #tpu.memory_space<vmem>>, vector<16xf32>,
      %swap3A_134 = arith.index_cast %add3A_56 : i32 to index
      %swap3A_135 = arith.constant 208 : index
      %swap3A_136 = tpu.vector_load %arg5[%swap3A_134, %swap3A_135] {strides = array<i32>} : memref<32x1000xf32, #tpu.memory_space<vmem>>, vector<16xf32>,
      tpu.vector_store %arg5[%swap3A_134, %swap3A_135], %broadcast_in_dim3A_3 {strides = array<i32>} : memref<32x1000xf32, #tpu.memory_space<vmem>>, vector<16xf32>,
      %swap3A_137 = arith.index_cast %add3A_56 : i32 to index
      %swap3A_138 = arith.constant 208 : index
      %swap3A_139 = tpu.vector_load %arg6[%swap3A_137, %swap3A_138] {strides = array<i32>} : memref<32x1000xf32, #tpu.memory_space<vmem>>, vector<16xf32>,
      tpu.vector_store %arg6[%swap3A_137, %swap3A_138], %broadcast_in_dim3A_3 {strides = array<i32>} : memref<32x1000xf32, #tpu.memory_space<vmem>>, vector<16xf32>,
      %swap3A_140 = arith.index_cast %add3A_56 : i32 to index
      %swap3A_141 = arith.constant 224 : index
      %swap3A_142 = tpu.vector_load %arg5[%swap3A_140, %swap3A_141] {strides = array<i32>} : memref<32x1000xf32, #tpu.memory_space<vmem>>, vector<16xf32>,
      tpu.vector_store %arg5[%swap3A_140, %swap3A_141], %broadcast_in_dim3A_3 {strides = array<i32>} : memref<32x1000xf32, #tpu.memory_space<vmem>>, vector<16xf32>,
      %swap3A_143 = arith.index_cast %add3A_56 : i32 to index
      %swap3A_144 = arith.constant 224 : index
      %swap3A_145 = tpu.vector_load %arg6[%swap3A_143, %swap3A_144] {strides = array<i32>} : memref<32x1000xf32, #tpu.memory_space<vmem>>, vector<16xf32>,
      tpu.vector_store %arg6[%swap3A_143, %swap3A_144], %broadcast_in_dim3A_3 {strides = array<i32>} : memref<32x1000xf32, #tpu.memory_space<vmem>>, vector<16xf32>,
      %swap3A_146 = arith.index_cast %add3A_56 : i32 to index
      %swap3A_147 = arith.constant 240 : index
      %swap3A_148 = tpu.vector_load %arg5[%swap3A_146, %swap3A_147] {strides = array<i32>} : memref<32x1000xf32, #tpu.memory_space<vmem>>, vector<16xf32>,
      tpu.vector_store %arg5[%swap3A_146, %swap3A_147], %broadcast_in_dim3A_3 {strides = array<i32>} : memref<32x1000xf32, #tpu.memory_space<vmem>>, vector<16xf32>,
      %swap3A_149 = arith.index_cast %add3A_56 : i32 to index
      %swap3A_150 = arith.constant 240 : index
      %swap3A_151 = tpu.vector_load %arg6[%swap3A_149, %swap3A_150] {strides = array<i32>} : memref<32x1000xf32, #tpu.memory_space<vmem>>, vector<16xf32>,
      tpu.vector_store %arg6[%swap3A_149, %swap3A_150], %broadcast_in_dim3A_3 {strides = array<i32>} : memref<32x1000xf32, #tpu.memory_space<vmem>>, vector<16xf32>,
      %swap3A_152 = arith.index_cast %add3A_56 : i32 to index
      %swap3A_153 = arith.constant 256 : index
      %swap3A_154 = tpu.vector_load %arg5[%swap3A_152, %swap3A_153] {strides = array<i32>} : memref<32x1000xf32, #tpu.memory_space<vmem>>, vector<16xf32>,
      tpu.vector_store %arg5[%swap3A_152, %swap3A_153], %broadcast_in_dim3A_3 {strides = array<i32>} : memref<32x1000xf32, #tpu.memory_space<vmem>>, vector<16xf32>,
      %swap3A_155 = arith.index_cast %add3A_56 : i32 to index
      %swap3A_156 = arith.constant 256 : index
      %swap3A_157 = tpu.vector_load %arg6[%swap3A_155, %swap3A_156] {strides = array<i32>} : memref<32x1000xf32, #tpu.memory_space<vmem>>, vector<16xf32>,
      tpu.vector_store %arg6[%swap3A_155, %swap3A_156], %broadcast_in_dim3A_3 {strides = array<i32>} : memref<32x1000xf32, #tpu.memory_space<vmem>>, vector<16xf32>,
      %swap3A_158 = arith.index_cast %add3A_56 : i32 to index
      %swap3A_159 = arith.constant 272 : index
      %swap3A_160 = tpu.vector_load %arg5[%swap3A_158, %swap3A_159] {strides = array<i32>} : memref<32x1000xf32, #tpu.memory_space<vmem>>, vector<16xf32>,
      tpu.vector_store %arg5[%swap3A_158, %swap3A_159], %broadcast_in_dim3A_3 {strides = array<i32>} : memref<32x1000xf32, #tpu.memory_space<vmem>>, vector<16xf32>,
      %swap3A_161 = arith.index_cast %add3A_56 : i32 to index
      %swap3A_162 = arith.constant 272 : index
      %swap3A_163 = tpu.vector_load %arg6[%swap3A_161, %swap3A_162] {strides = array<i32>} : memref<32x1000xf32, #tpu.memory_space<vmem>>, vector<16xf32>,
      tpu.vector_store %arg6[%swap3A_161, %swap3A_162], %broadcast_in_dim3A_3 {strides = array<i32>} : memref<32x1000xf32, #tpu.memory_space<vmem>>, vector<16xf32>,
      %swap3A_164 = arith.index_cast %add3A_56 : i32 to index
      %swap3A_165 = arith.constant 288 : index
      %swap3A_166 = tpu.vector_load %arg5[%swap3A_164, %swap3A_165] {strides = array<i32>} : memref<32x1000xf32, #tpu.memory_space<vmem>>, vector<16xf32>,
      tpu.vector_store %arg5[%swap3A_164, %swap3A_165], %broadcast_in_dim3A_3 {strides = array<i32>} : memref<32x1000xf32, #tpu.memory_space<vmem>>, vector<16xf32>,
      %swap3A_167 = arith.index_cast %add3A_56 : i32 to index
      %swap3A_168 = arith.constant 288 : index
      %swap3A_169 = tpu.vector_load %arg6[%swap3A_167, %swap3A_168] {strides = array<i32>} : memref<32x1000xf32, #tpu.memory_space<vmem>>, vector<16xf32>,
      tpu.vector_store %arg6[%swap3A_167, %swap3A_168], %broadcast_in_dim3A_3 {strides = array<i32>} : memref<32x1000xf32, #tpu.memory_space<vmem>>, vector<16xf32>,
      %swap3A_170 = arith.index_cast %add3A_56 : i32 to index
      %swap3A_171 = arith.constant 304 : index
      %swap3A_172 = tpu.vector_load %arg5[%swap3A_170, %swap3A_171] {strides = array<i32>} : memref<32x1000xf32, #tpu.memory_space<vmem>>, vector<16xf32>,
      tpu.vector_store %arg5[%swap3A_170, %swap3A_171], %broadcast_in_dim3A_3 {strides = array<i32>} : memref<32x1000xf32, #tpu.memory_space<vmem>>, vector<16xf32>,
      %swap3A_173 = arith.index_cast %add3A_56 : i32 to index
      %swap3A_174 = arith.constant 304 : index
      %swap3A_175 = tpu.vector_load %arg6[%swap3A_173, %swap3A_174] {strides = array<i32>} : memref<32x1000xf32, #tpu.memory_space<vmem>>, vector<16xf32>,
      tpu.vector_store %arg6[%swap3A_173, %swap3A_174], %broadcast_in_dim3A_3 {strides = array<i32>} : memref<32x1000xf32, #tpu.memory_space<vmem>>, vector<16xf32>,
      %swap3A_176 = arith.index_cast %add3A_56 : i32 to index
      %swap3A_177 = arith.constant 320 : index
      %swap3A_178 = tpu.vector_load %arg5[%swap3A_176, %swap3A_177] {strides = array<i32>} : memref<32x1000xf32, #tpu.memory_space<vmem>>, vector<16xf32>,
      tpu.vector_store %arg5[%swap3A_176, %swap3A_177], %broadcast_in_dim3A_3 {strides = array<i32>} : memref<32x1000xf32, #tpu.memory_space<vmem>>, vector<16xf32>,
      %swap3A_179 = arith.index_cast %add3A_56 : i32 to index
      %swap3A_180 = arith.constant 320 : index
      %swap3A_181 = tpu.vector_load %arg6[%swap3A_179, %swap3A_180] {strides = array<i32>} : memref<32x1000xf32, #tpu.memory_space<vmem>>, vector<16xf32>,
      tpu.vector_store %arg6[%swap3A_179, %swap3A_180], %broadcast_in_dim3A_3 {strides = array<i32>} : memref<32x1000xf32, #tpu.memory_space<vmem>>, vector<16xf32>,
      %swap3A_182 = arith.index_cast %add3A_56 : i32 to index
      %swap3A_183 = arith.constant 336 : index
      %swap3A_184 = tpu.vector_load %arg5[%swap3A_182, %swap3A_183] {strides = array<i32>} : memref<32x1000xf32, #tpu.memory_space<vmem>>, vector<16xf32>,
      tpu.vector_store %arg5[%swap3A_182, %swap3A_183], %broadcast_in_dim3A_3 {strides = array<i32>} : memref<32x1000xf32, #tpu.memory_space<vmem>>, vector<16xf32>,
      %swap3A_185 = arith.index_cast %add3A_56 : i32 to index
      %swap3A_186 = arith.constant 336 : index
      %swap3A_187 = tpu.vector_load %arg6[%swap3A_185, %swap3A_186] {strides = array<i32>} : memref<32x1000xf32, #tpu.memory_space<vmem>>, vector<16xf32>,
      tpu.vector_store %arg6[%swap3A_185, %swap3A_186], %broadcast_in_dim3A_3 {strides = array<i32>} : memref<32x1000xf32, #tpu.memory_space<vmem>>, vector<16xf32>,
      %swap3A_188 = arith.index_cast %add3A_56 : i32 to index
      %swap3A_189 = arith.constant 352 : index
      %swap3A_190 = tpu.vector_load %arg5[%swap3A_188, %swap3A_189] {strides = array<i32>} : memref<32x1000xf32, #tpu.memory_space<vmem>>, vector<16xf32>,
      tpu.vector_store %arg5[%swap3A_188, %swap3A_189], %broadcast_in_dim3A_3 {strides = array<i32>} : memref<32x1000xf32, #tpu.memory_space<vmem>>, vector<16xf32>,
      %swap3A_191 = arith.index_cast %add3A_56 : i32 to index
      %swap3A_192 = arith.constant 352 : index
      %swap3A_193 = tpu.vector_load %arg6[%swap3A_191, %swap3A_192] {strides = array<i32>} : memref<32x1000xf32, #tpu.memory_space<vmem>>, vector<16xf32>,
      tpu.vector_store %arg6[%swap3A_191, %swap3A_192], %broadcast_in_dim3A_3 {strides = array<i32>} : memref<32x1000xf32, #tpu.memory_space<vmem>>, vector<16xf32>,
      %swap3A_194 = arith.index_cast %add3A_56 : i32 to index
      %swap3A_195 = arith.constant 368 : index
      %swap3A_196 = tpu.vector_load %arg5[%swap3A_194, %swap3A_195] {strides = array<i32>} : memref<32x1000xf32, #tpu.memory_space<vmem>>, vector<16xf32>,
      tpu.vector_store %arg5[%swap3A_194, %swap3A_195], %broadcast_in_dim3A_3 {strides = array<i32>} : memref<32x1000xf32, #tpu.memory_space<vmem>>, vector<16xf32>,
      %swap3A_197 = arith.index_cast %add3A_56 : i32 to index
      %swap3A_198 = arith.constant 368 : index
      %swap3A_199 = tpu.vector_load %arg6[%swap3A_197, %swap3A_198] {strides = array<i32>} : memref<32x1000xf32, #tpu.memory_space<vmem>>, vector<16xf32>,
      tpu.vector_store %arg6[%swap3A_197, %swap3A_198], %broadcast_in_dim3A_3 {strides = array<i32>} : memref<32x1000xf32, #tpu.memory_space<vmem>>, vector<16xf32>,
      %swap3A_200 = arith.index_cast %add3A_56 : i32 to index
      %swap3A_201 = arith.constant 384 : index
      %swap3A_202 = tpu.vector_load %arg5[%swap3A_200, %swap3A_201] {strides = array<i32>} : memref<32x1000xf32, #tpu.memory_space<vmem>>, vector<16xf32>,
      tpu.vector_store %arg5[%swap3A_200, %swap3A_201], %broadcast_in_dim3A_3 {strides = array<i32>} : memref<32x1000xf32, #tpu.memory_space<vmem>>, vector<16xf32>,
      %swap3A_203 = arith.index_cast %add3A_56 : i32 to index
      %swap3A_204 = arith.constant 384 : index
      %swap3A_205 = tpu.vector_load %arg6[%swap3A_203, %swap3A_204] {strides = array<i32>} : memref<32x1000xf32, #tpu.memory_space<vmem>>, vector<16xf32>,
      tpu.vector_store %arg6[%swap3A_203, %swap3A_204], %broadcast_in_dim3A_3 {strides = array<i32>} : memref<32x1000xf32, #tpu.memory_space<vmem>>, vector<16xf32>,
      %swap3A_206 = arith.index_cast %add3A_56 : i32 to index
      %swap3A_207 = arith.constant 400 : index
      %swap3A_208 = tpu.vector_load %arg5[%swap3A_206, %swap3A_207] {strides = array<i32>} : memref<32x1000xf32, #tpu.memory_space<vmem>>, vector<16xf32>,
      tpu.vector_store %arg5[%swap3A_206, %swap3A_207], %broadcast_in_dim3A_3 {strides = array<i32>} : memref<32x1000xf32, #tpu.memory_space<vmem>>, vector<16xf32>,
      %swap3A_209 = arith.index_cast %add3A_56 : i32 to index
      %swap3A_210 = arith.constant 400 : index
      %swap3A_211 = tpu.vector_load %arg6[%swap3A_209, %swap3A_210] {strides = array<i32>} : memref<32x1000xf32, #tpu.memory_space<vmem>>, vector<16xf32>,
      tpu.vector_store %arg6[%swap3A_209, %swap3A_210], %broadcast_in_dim3A_3 {strides = array<i32>} : memref<32x1000xf32, #tpu.memory_space<vmem>>, vector<16xf32>,
      %swap3A_212 = arith.index_cast %add3A_56 : i32 to index
      %swap3A_213 = arith.constant 416 : index
      %swap3A_214 = tpu.vector_load %arg5[%swap3A_212, %swap3A_213] {strides = array<i32>} : memref<32x1000xf32, #tpu.memory_space<vmem>>, vector<16xf32>,
      tpu.vector_store %arg5[%swap3A_212, %swap3A_213], %broadcast_in_dim3A_3 {strides = array<i32>} : memref<32x1000xf32, #tpu.memory_space<vmem>>, vector<16xf32>,
      %swap3A_215 = arith.index_cast %add3A_56 : i32 to index
      %swap3A_216 = arith.constant 416 : index
      %swap3A_217 = tpu.vector_load %arg6[%swap3A_215, %swap3A_216] {strides = array<i32>} : memref<32x1000xf32, #tpu.memory_space<vmem>>, vector<16xf32>,
      tpu.vector_store %arg6[%swap3A_215, %swap3A_216], %broadcast_in_dim3A_3 {strides = array<i32>} : memref<32x1000xf32, #tpu.memory_space<vmem>>, vector<16xf32>,
      %swap3A_218 = arith.index_cast %add3A_56 : i32 to index
      %swap3A_219 = arith.constant 432 : index
      %swap3A_220 = tpu.vector_load %arg5[%swap3A_218, %swap3A_219] {strides = array<i32>} : memref<32x1000xf32, #tpu.memory_space<vmem>>, vector<16xf32>,
      tpu.vector_store %arg5[%swap3A_218, %swap3A_219], %broadcast_in_dim3A_3 {strides = array<i32>} : memref<32x1000xf32, #tpu.memory_space<vmem>>, vector<16xf32>,
      %swap3A_221 = arith.index_cast %add3A_56 : i32 to index
      %swap3A_222 = arith.constant 432 : index
      %swap3A_223 = tpu.vector_load %arg6[%swap3A_221, %swap3A_222] {strides = array<i32>} : memref<32x1000xf32, #tpu.memory_space<vmem>>, vector<16xf32>,
      tpu.vector_store %arg6[%swap3A_221, %swap3A_222], %broadcast_in_dim3A_3 {strides = array<i32>} : memref<32x1000xf32, #tpu.memory_space<vmem>>, vector<16xf32>,
      %swap3A_224 = arith.index_cast %add3A_56 : i32 to index
      %swap3A_225 = arith.constant 448 : index
      %swap3A_226 = tpu.vector_load %arg5[%swap3A_224, %swap3A_225] {strides = array<i32>} : memref<32x1000xf32, #tpu.memory_space<vmem>>, vector<16xf32>,
      tpu.vector_store %arg5[%swap3A_224, %swap3A_225], %broadcast_in_dim3A_3 {strides = array<i32>} : memref<32x1000xf32, #tpu.memory_space<vmem>>, vector<16xf32>,
      %swap3A_227 = arith.index_cast %add3A_56 : i32 to index
      %swap3A_228 = arith.constant 448 : index
      %swap3A_229 = tpu.vector_load %arg6[%swap3A_227, %swap3A_228] {strides = array<i32>} : memref<32x1000xf32, #tpu.memory_space<vmem>>, vector<16xf32>,
      tpu.vector_store %arg6[%swap3A_227, %swap3A_228], %broadcast_in_dim3A_3 {strides = array<i32>} : memref<32x1000xf32, #tpu.memory_space<vmem>>, vector<16xf32>,
      %swap3A_230 = arith.index_cast %add3A_56 : i32 to index
      %swap3A_231 = arith.constant 464 : index
      %swap3A_232 = tpu.vector_load %arg5[%swap3A_230, %swap3A_231] {strides = array<i32>} : memref<32x1000xf32, #tpu.memory_space<vmem>>, vector<16xf32>,
      tpu.vector_store %arg5[%swap3A_230, %swap3A_231], %broadcast_in_dim3A_3 {strides = array<i32>} : memref<32x1000xf32, #tpu.memory_space<vmem>>, vector<16xf32>,
      %swap3A_233 = arith.index_cast %add3A_56 : i32 to index
      %swap3A_234 = arith.constant 464 : index
      %swap3A_235 = tpu.vector_load %arg6[%swap3A_233, %swap3A_234] {strides = array<i32>} : memref<32x1000xf32, #tpu.memory_space<vmem>>, vector<16xf32>,
      tpu.vector_store %arg6[%swap3A_233, %swap3A_234], %broadcast_in_dim3A_3 {strides = array<i32>} : memref<32x1000xf32, #tpu.memory_space<vmem>>, vector<16xf32>,
      %swap3A_236 = arith.index_cast %add3A_56 : i32 to index
      %swap3A_237 = arith.constant 480 : index
      %swap3A_238 = tpu.vector_load %arg5[%swap3A_236, %swap3A_237] {strides = array<i32>} : memref<32x1000xf32, #tpu.memory_space<vmem>>, vector<16xf32>,
      tpu.vector_store %arg5[%swap3A_236, %swap3A_237], %broadcast_in_dim3A_3 {strides = array<i32>} : memref<32x1000xf32, #tpu.memory_space<vmem>>, vector<16xf32>,
      %swap3A_239 = arith.index_cast %add3A_56 : i32 to index
      %swap3A_240 = arith.constant 480 : index
      %swap3A_241 = tpu.vector_load %arg6[%swap3A_239, %swap3A_240] {strides = array<i32>} : memref<32x1000xf32, #tpu.memory_space<vmem>>, vector<16xf32>,
      tpu.vector_store %arg6[%swap3A_239, %swap3A_240], %broadcast_in_dim3A_3 {strides = array<i32>} : memref<32x1000xf32, #tpu.memory_space<vmem>>, vector<16xf32>,
      %swap3A_242 = arith.index_cast %add3A_56 : i32 to index
      %swap3A_243 = arith.constant 496 : index
      %swap3A_244 = tpu.vector_load %arg5[%swap3A_242, %swap3A_243] {strides = array<i32>} : memref<32x1000xf32, #tpu.memory_space<vmem>>, vector<16xf32>,
      tpu.vector_store %arg5[%swap3A_242, %swap3A_243], %broadcast_in_dim3A_3 {strides = array<i32>} : memref<32x1000xf32, #tpu.memory_space<vmem>>, vector<16xf32>,
      %swap3A_245 = arith.index_cast %add3A_56 : i32 to index
      %swap3A_246 = arith.constant 496 : index
      %swap3A_247 = tpu.vector_load %arg6[%swap3A_245, %swap3A_246] {strides = array<i32>} : memref<32x1000xf32, #tpu.memory_space<vmem>>, vector<16xf32>,
      tpu.vector_store %arg6[%swap3A_245, %swap3A_246], %broadcast_in_dim3A_3 {strides = array<i32>} : memref<32x1000xf32, #tpu.memory_space<vmem>>, vector<16xf32>,
      %swap3A_248 = arith.index_cast %add3A_56 : i32 to index
      %swap3A_249 = arith.constant 512 : index
      %swap3A_250 = tpu.vector_load %arg5[%swap3A_248, %swap3A_249] {strides = array<i32>} : memref<32x1000xf32, #tpu.memory_space<vmem>>, vector<16xf32>,
      tpu.vector_store %arg5[%swap3A_248, %swap3A_249], %broadcast_in_dim3A_3 {strides = array<i32>} : memref<32x1000xf32, #tpu.memory_space<vmem>>, vector<16xf32>,
      %swap3A_251 = arith.index_cast %add3A_56 : i32 to index
      %swap3A_252 = arith.constant 512 : index
      %swap3A_253 = tpu.vector_load %arg6[%swap3A_251, %swap3A_252] {strides = array<i32>} : memref<32x1000xf32, #tpu.memory_space<vmem>>, vector<16xf32>,
      tpu.vector_store %arg6[%swap3A_251, %swap3A_252], %broadcast_in_dim3A_3 {strides = array<i32>} : memref<32x1000xf32, #tpu.memory_space<vmem>>, vector<16xf32>,
      %swap3A_254 = arith.index_cast %add3A_56 : i32 to index
      %swap3A_255 = arith.constant 528 : index
      %swap3A_256 = tpu.vector_load %arg5[%swap3A_254, %swap3A_255] {strides = array<i32>} : memref<32x1000xf32, #tpu.memory_space<vmem>>, vector<16xf32>,
      tpu.vector_store %arg5[%swap3A_254, %swap3A_255], %broadcast_in_dim3A_3 {strides = array<i32>} : memref<32x1000xf32, #tpu.memory_space<vmem>>, vector<16xf32>,
      %swap3A_257 = arith.index_cast %add3A_56 : i32 to index
      %swap3A_258 = arith.constant 528 : index
      %swap3A_259 = tpu.vector_load %arg6[%swap3A_257, %swap3A_258] {strides = array<i32>} : memref<32x1000xf32, #tpu.memory_space<vmem>>, vector<16xf32>,
      tpu.vector_store %arg6[%swap3A_257, %swap3A_258], %broadcast_in_dim3A_3 {strides = array<i32>} : memref<32x1000xf32, #tpu.memory_space<vmem>>, vector<16xf32>,
      %swap3A_260 = arith.index_cast %add3A_56 : i32 to index
      %swap3A_261 = arith.constant 544 : index
      %swap3A_262 = tpu.vector_load %arg5[%swap3A_260, %swap3A_261] {strides = array<i32>} : memref<32x1000xf32, #tpu.memory_space<vmem>>, vector<16xf32>,
      tpu.vector_store %arg5[%swap3A_260, %swap3A_261], %broadcast_in_dim3A_3 {strides = array<i32>} : memref<32x1000xf32, #tpu.memory_space<vmem>>, vector<16xf32>,
      %swap3A_263 = arith.index_cast %add3A_56 : i32 to index
      %swap3A_264 = arith.constant 544 : index
      %swap3A_265 = tpu.vector_load %arg6[%swap3A_263, %swap3A_264] {strides = array<i32>} : memref<32x1000xf32, #tpu.memory_space<vmem>>, vector<16xf32>,
      tpu.vector_store %arg6[%swap3A_263, %swap3A_264], %broadcast_in_dim3A_3 {strides = array<i32>} : memref<32x1000xf32, #tpu.memory_space<vmem>>, vector<16xf32>,
      %swap3A_266 = arith.index_cast %add3A_56 : i32 to index
      %swap3A_267 = arith.constant 560 : index
      %swap3A_268 = tpu.vector_load %arg5[%swap3A_266, %swap3A_267] {strides = array<i32>} : memref<32x1000xf32, #tpu.memory_space<vmem>>, vector<16xf32>,
      tpu.vector_store %arg5[%swap3A_266, %swap3A_267], %broadcast_in_dim3A_3 {strides = array<i32>} : memref<32x1000xf32, #tpu.memory_space<vmem>>, vector<16xf32>,
      %swap3A_269 = arith.index_cast %add3A_56 : i32 to index
      %swap3A_270 = arith.constant 560 : index
      %swap3A_271 = tpu.vector_load %arg6[%swap3A_269, %swap3A_270] {strides = array<i32>} : memref<32x1000xf32, #tpu.memory_space<vmem>>, vector<16xf32>,
      tpu.vector_store %arg6[%swap3A_269, %swap3A_270], %broadcast_in_dim3A_3 {strides = array<i32>} : memref<32x1000xf32, #tpu.memory_space<vmem>>, vector<16xf32>,
      %swap3A_272 = arith.index_cast %add3A_56 : i32 to index
      %swap3A_273 = arith.constant 576 : index
      %swap3A_274 = tpu.vector_load %arg5[%swap3A_272, %swap3A_273] {strides = array<i32>} : memref<32x1000xf32, #tpu.memory_space<vmem>>, vector<16xf32>,
      tpu.vector_store %arg5[%swap3A_272, %swap3A_273], %broadcast_in_dim3A_3 {strides = array<i32>} : memref<32x1000xf32, #tpu.memory_space<vmem>>, vector<16xf32>,
      %swap3A_275 = arith.index_cast %add3A_56 : i32 to index
      %swap3A_276 = arith.constant 576 : index
      %swap3A_277 = tpu.vector_load %arg6[%swap3A_275, %swap3A_276] {strides = array<i32>} : memref<32x1000xf32, #tpu.memory_space<vmem>>, vector<16xf32>,
      tpu.vector_store %arg6[%swap3A_275, %swap3A_276], %broadcast_in_dim3A_3 {strides = array<i32>} : memref<32x1000xf32, #tpu.memory_space<vmem>>, vector<16xf32>,
      %swap3A_278 = arith.index_cast %add3A_56 : i32 to index
      %swap3A_279 = arith.constant 592 : index
      %swap3A_280 = tpu.vector_load %arg5[%swap3A_278, %swap3A_279] {strides = array<i32>} : memref<32x1000xf32, #tpu.memory_space<vmem>>, vector<16xf32>,
      tpu.vector_store %arg5[%swap3A_278, %swap3A_279], %broadcast_in_dim3A_3 {strides = array<i32>} : memref<32x1000xf32, #tpu.memory_space<vmem>>, vector<16xf32>,
      %swap3A_281 = arith.index_cast %add3A_56 : i32 to index
      %swap3A_282 = arith.constant 592 : index
      %swap3A_283 = tpu.vector_load %arg6[%swap3A_281, %swap3A_282] {strides = array<i32>} : memref<32x1000xf32, #tpu.memory_space<vmem>>, vector<16xf32>,
      tpu.vector_store %arg6[%swap3A_281, %swap3A_282], %broadcast_in_dim3A_3 {strides = array<i32>} : memref<32x1000xf32, #tpu.memory_space<vmem>>, vector<16xf32>,
      %swap3A_284 = arith.index_cast %add3A_56 : i32 to index
      %swap3A_285 = arith.constant 608 : index
      %swap3A_286 = tpu.vector_load %arg5[%swap3A_284, %swap3A_285] {strides = array<i32>} : memref<32x1000xf32, #tpu.memory_space<vmem>>, vector<16xf32>,
      tpu.vector_store %arg5[%swap3A_284, %swap3A_285], %broadcast_in_dim3A_3 {strides = array<i32>} : memref<32x1000xf32, #tpu.memory_space<vmem>>, vector<16xf32>,
      %swap3A_287 = arith.index_cast %add3A_56 : i32 to index
      %swap3A_288 = arith.constant 608 : index
      %swap3A_289 = tpu.vector_load %arg6[%swap3A_287, %swap3A_288] {strides = array<i32>} : memref<32x1000xf32, #tpu.memory_space<vmem>>, vector<16xf32>,
      tpu.vector_store %arg6[%swap3A_287, %swap3A_288], %broadcast_in_dim3A_3 {strides = array<i32>} : memref<32x1000xf32, #tpu.memory_space<vmem>>, vector<16xf32>,
      %swap3A_290 = arith.index_cast %add3A_56 : i32 to index
      %swap3A_291 = arith.constant 624 : index
      %swap3A_292 = tpu.vector_load %arg5[%swap3A_290, %swap3A_291] {strides = array<i32>} : memref<32x1000xf32, #tpu.memory_space<vmem>>, vector<16xf32>,
      tpu.vector_store %arg5[%swap3A_290, %swap3A_291], %broadcast_in_dim3A_3 {strides = array<i32>} : memref<32x1000xf32, #tpu.memory_space<vmem>>, vector<16xf32>,
      %swap3A_293 = arith.index_cast %add3A_56 : i32 to index
      %swap3A_294 = arith.constant 624 : index
      %swap3A_295 = tpu.vector_load %arg6[%swap3A_293, %swap3A_294] {strides = array<i32>} : memref<32x1000xf32, #tpu.memory_space<vmem>>, vector<16xf32>,
      tpu.vector_store %arg6[%swap3A_293, %swap3A_294], %broadcast_in_dim3A_3 {strides = array<i32>} : memref<32x1000xf32, #tpu.memory_space<vmem>>, vector<16xf32>,
      %swap3A_296 = arith.index_cast %add3A_56 : i32 to index
      %swap3A_297 = arith.constant 640 : index
      %swap3A_298 = tpu.vector_load %arg5[%swap3A_296, %swap3A_297] {strides = array<i32>} : memref<32x1000xf32, #tpu.memory_space<vmem>>, vector<16xf32>,
      tpu.vector_store %arg5[%swap3A_296, %swap3A_297], %broadcast_in_dim3A_3 {strides = array<i32>} : memref<32x1000xf32, #tpu.memory_space<vmem>>, vector<16xf32>,
      %swap3A_299 = arith.index_cast %add3A_56 : i32 to index
      %swap3A_300 = arith.constant 640 : index
      %swap3A_301 = tpu.vector_load %arg6[%swap3A_299, %swap3A_300] {strides = array<i32>} : memref<32x1000xf32, #tpu.memory_space<vmem>>, vector<16xf32>,
      tpu.vector_store %arg6[%swap3A_299, %swap3A_300], %broadcast_in_dim3A_3 {strides = array<i32>} : memref<32x1000xf32, #tpu.memory_space<vmem>>, vector<16xf32>,
      %swap3A_302 = arith.index_cast %add3A_56 : i32 to index
      %swap3A_303 = arith.constant 656 : index
      %swap3A_304 = tpu.vector_load %arg5[%swap3A_302, %swap3A_303] {strides = array<i32>} : memref<32x1000xf32, #tpu.memory_space<vmem>>, vector<16xf32>,
      tpu.vector_store %arg5[%swap3A_302, %swap3A_303], %broadcast_in_dim3A_3 {strides = array<i32>} : memref<32x1000xf32, #tpu.memory_space<vmem>>, vector<16xf32>,
      %swap3A_305 = arith.index_cast %add3A_56 : i32 to index
      %swap3A_306 = arith.constant 656 : index
      %swap3A_307 = tpu.vector_load %arg6[%swap3A_305, %swap3A_306] {strides = array<i32>} : memref<32x1000xf32, #tpu.memory_space<vmem>>, vector<16xf32>,
      tpu.vector_store %arg6[%swap3A_305, %swap3A_306], %broadcast_in_dim3A_3 {strides = array<i32>} : memref<32x1000xf32, #tpu.memory_space<vmem>>, vector<16xf32>,
      %swap3A_308 = arith.index_cast %add3A_56 : i32 to index
      %swap3A_309 = arith.constant 672 : index
      %swap3A_310 = tpu.vector_load %arg5[%swap3A_308, %swap3A_309] {strides = array<i32>} : memref<32x1000xf32, #tpu.memory_space<vmem>>, vector<16xf32>,
      tpu.vector_store %arg5[%swap3A_308, %swap3A_309], %broadcast_in_dim3A_3 {strides = array<i32>} : memref<32x1000xf32, #tpu.memory_space<vmem>>, vector<16xf32>,
      %swap3A_311 = arith.index_cast %add3A_56 : i32 to index
      %swap3A_312 = arith.constant 672 : index
      %swap3A_313 = tpu.vector_load %arg6[%swap3A_311, %swap3A_312] {strides = array<i32>} : memref<32x1000xf32, #tpu.memory_space<vmem>>, vector<16xf32>,
      tpu.vector_store %arg6[%swap3A_311, %swap3A_312], %broadcast_in_dim3A_3 {strides = array<i32>} : memref<32x1000xf32, #tpu.memory_space<vmem>>, vector<16xf32>,
      %swap3A_314 = arith.index_cast %add3A_56 : i32 to index
      %swap3A_315 = arith.constant 688 : index
      %swap3A_316 = tpu.vector_load %arg5[%swap3A_314, %swap3A_315] {strides = array<i32>} : memref<32x1000xf32, #tpu.memory_space<vmem>>, vector<16xf32>,
      tpu.vector_store %arg5[%swap3A_314, %swap3A_315], %broadcast_in_dim3A_3 {strides = array<i32>} : memref<32x1000xf32, #tpu.memory_space<vmem>>, vector<16xf32>,
      %swap3A_317 = arith.index_cast %add3A_56 : i32 to index
      %swap3A_318 = arith.constant 688 : index
      %swap3A_319 = tpu.vector_load %arg6[%swap3A_317, %swap3A_318] {strides = array<i32>} : memref<32x1000xf32, #tpu.memory_space<vmem>>, vector<16xf32>,
      tpu.vector_store %arg6[%swap3A_317, %swap3A_318], %broadcast_in_dim3A_3 {strides = array<i32>} : memref<32x1000xf32, #tpu.memory_space<vmem>>, vector<16xf32>,
      %swap3A_320 = arith.index_cast %add3A_56 : i32 to index
      %swap3A_321 = arith.constant 704 : index
      %swap3A_322 = tpu.vector_load %arg5[%swap3A_320, %swap3A_321] {strides = array<i32>} : memref<32x1000xf32, #tpu.memory_space<vmem>>, vector<16xf32>,
      tpu.vector_store %arg5[%swap3A_320, %swap3A_321], %broadcast_in_dim3A_3 {strides = array<i32>} : memref<32x1000xf32, #tpu.memory_space<vmem>>, vector<16xf32>,
      %swap3A_323 = arith.index_cast %add3A_56 : i32 to index
      %swap3A_324 = arith.constant 704 : index
      %swap3A_325 = tpu.vector_load %arg6[%swap3A_323, %swap3A_324] {strides = array<i32>} : memref<32x1000xf32, #tpu.memory_space<vmem>>, vector<16xf32>,
      tpu.vector_store %arg6[%swap3A_323, %swap3A_324], %broadcast_in_dim3A_3 {strides = array<i32>} : memref<32x1000xf32, #tpu.memory_space<vmem>>, vector<16xf32>,
      %swap3A_326 = arith.index_cast %add3A_56 : i32 to index
      %swap3A_327 = arith.constant 720 : index
      %swap3A_328 = tpu.vector_load %arg5[%swap3A_326, %swap3A_327] {strides = array<i32>} : memref<32x1000xf32, #tpu.memory_space<vmem>>, vector<16xf32>,
      tpu.vector_store %arg5[%swap3A_326, %swap3A_327], %broadcast_in_dim3A_3 {strides = array<i32>} : memref<32x1000xf32, #tpu.memory_space<vmem>>, vector<16xf32>,
      %swap3A_329 = arith.index_cast %add3A_56 : i32 to index
      %swap3A_330 = arith.constant 720 : index
      %swap3A_331 = tpu.vector_load %arg6[%swap3A_329, %swap3A_330] {strides = array<i32>} : memref<32x1000xf32, #tpu.memory_space<vmem>>, vector<16xf32>,
      tpu.vector_store %arg6[%swap3A_329, %swap3A_330], %broadcast_in_dim3A_3 {strides = array<i32>} : memref<32x1000xf32, #tpu.memory_space<vmem>>, vector<16xf32>,
      %swap3A_332 = arith.index_cast %add3A_56 : i32 to index
      %swap3A_333 = arith.constant 736 : index
      %swap3A_334 = tpu.vector_load %arg5[%swap3A_332, %swap3A_333] {strides = array<i32>} : memref<32x1000xf32, #tpu.memory_space<vmem>>, vector<16xf32>,
      tpu.vector_store %arg5[%swap3A_332, %swap3A_333], %broadcast_in_dim3A_3 {strides = array<i32>} : memref<32x1000xf32, #tpu.memory_space<vmem>>, vector<16xf32>,
      %swap3A_335 = arith.index_cast %add3A_56 : i32 to index
      %swap3A_336 = arith.constant 736 : index
      %swap3A_337 = tpu.vector_load %arg6[%swap3A_335, %swap3A_336] {strides = array<i32>} : memref<32x1000xf32, #tpu.memory_space<vmem>>, vector<16xf32>,
      tpu.vector_store %arg6[%swap3A_335, %swap3A_336], %broadcast_in_dim3A_3 {strides = array<i32>} : memref<32x1000xf32, #tpu.memory_space<vmem>>, vector<16xf32>,
      %swap3A_338 = arith.index_cast %add3A_56 : i32 to index
      %swap3A_339 = arith.constant 752 : index
      %swap3A_340 = tpu.vector_load %arg5[%swap3A_338, %swap3A_339] {strides = array<i32>} : memref<32x1000xf32, #tpu.memory_space<vmem>>, vector<16xf32>,
      tpu.vector_store %arg5[%swap3A_338, %swap3A_339], %broadcast_in_dim3A_3 {strides = array<i32>} : memref<32x1000xf32, #tpu.memory_space<vmem>>, vector<16xf32>,
      %swap3A_341 = arith.index_cast %add3A_56 : i32 to index
      %swap3A_342 = arith.constant 752 : index
      %swap3A_343 = tpu.vector_load %arg6[%swap3A_341, %swap3A_342] {strides = array<i32>} : memref<32x1000xf32, #tpu.memory_space<vmem>>, vector<16xf32>,
      tpu.vector_store %arg6[%swap3A_341, %swap3A_342], %broadcast_in_dim3A_3 {strides = array<i32>} : memref<32x1000xf32, #tpu.memory_space<vmem>>, vector<16xf32>,
      %swap3A_344 = arith.index_cast %add3A_56 : i32 to index
      %swap3A_345 = arith.constant 768 : index
      %swap3A_346 = tpu.vector_load %arg5[%swap3A_344, %swap3A_345] {strides = array<i32>} : memref<32x1000xf32, #tpu.memory_space<vmem>>, vector<16xf32>,
      tpu.vector_store %arg5[%swap3A_344, %swap3A_345], %broadcast_in_dim3A_3 {strides = array<i32>} : memref<32x1000xf32, #tpu.memory_space<vmem>>, vector<16xf32>,
      %swap3A_347 = arith.index_cast %add3A_56 : i32 to index
      %swap3A_348 = arith.constant 768 : index
      %swap3A_349 = tpu.vector_load %arg6[%swap3A_347, %swap3A_348] {strides = array<i32>} : memref<32x1000xf32, #tpu.memory_space<vmem>>, vector<16xf32>,
      tpu.vector_store %arg6[%swap3A_347, %swap3A_348], %broadcast_in_dim3A_3 {strides = array<i32>} : memref<32x1000xf32, #tpu.memory_space<vmem>>, vector<16xf32>,
      %swap3A_350 = arith.index_cast %add3A_56 : i32 to index
      %swap3A_351 = arith.constant 784 : index
      %swap3A_352 = tpu.vector_load %arg5[%swap3A_350, %swap3A_351] {strides = array<i32>} : memref<32x1000xf32, #tpu.memory_space<vmem>>, vector<16xf32>,
      tpu.vector_store %arg5[%swap3A_350, %swap3A_351], %broadcast_in_dim3A_3 {strides = array<i32>} : memref<32x1000xf32, #tpu.memory_space<vmem>>, vector<16xf32>,
      %swap3A_353 = arith.index_cast %add3A_56 : i32 to index
      %swap3A_354 = arith.constant 784 : index
      %swap3A_355 = tpu.vector_load %arg6[%swap3A_353, %swap3A_354] {strides = array<i32>} : memref<32x1000xf32, #tpu.memory_space<vmem>>, vector<16xf32>,
      tpu.vector_store %arg6[%swap3A_353, %swap3A_354], %broadcast_in_dim3A_3 {strides = array<i32>} : memref<32x1000xf32, #tpu.memory_space<vmem>>, vector<16xf32>,
      %swap3A_356 = arith.index_cast %add3A_56 : i32 to index
      %swap3A_357 = arith.constant 800 : index
      %swap3A_358 = tpu.vector_load %arg5[%swap3A_356, %swap3A_357] {strides = array<i32>} : memref<32x1000xf32, #tpu.memory_space<vmem>>, vector<16xf32>,
      tpu.vector_store %arg5[%swap3A_356, %swap3A_357], %broadcast_in_dim3A_3 {strides = array<i32>} : memref<32x1000xf32, #tpu.memory_space<vmem>>, vector<16xf32>,
      %swap3A_359 = arith.index_cast %add3A_56 : i32 to index
      %swap3A_360 = arith.constant 800 : index
      %swap3A_361 = tpu.vector_load %arg6[%swap3A_359, %swap3A_360] {strides = array<i32>} : memref<32x1000xf32, #tpu.memory_space<vmem>>, vector<16xf32>,
      tpu.vector_store %arg6[%swap3A_359, %swap3A_360], %broadcast_in_dim3A_3 {strides = array<i32>} : memref<32x1000xf32, #tpu.memory_space<vmem>>, vector<16xf32>,
      %swap3A_362 = arith.index_cast %add3A_56 : i32 to index
      %swap3A_363 = arith.constant 816 : index
      %swap3A_364 = tpu.vector_load %arg5[%swap3A_362, %swap3A_363] {strides = array<i32>} : memref<32x1000xf32, #tpu.memory_space<vmem>>, vector<16xf32>,
      tpu.vector_store %arg5[%swap3A_362, %swap3A_363], %broadcast_in_dim3A_3 {strides = array<i32>} : memref<32x1000xf32, #tpu.memory_space<vmem>>, vector<16xf32>,
      %swap3A_365 = arith.index_cast %add3A_56 : i32 to index
      %swap3A_366 = arith.constant 816 : index
      %swap3A_367 = tpu.vector_load %arg6[%swap3A_365, %swap3A_366] {strides = array<i32>} : memref<32x1000xf32, #tpu.memory_space<vmem>>, vector<16xf32>,
      tpu.vector_store %arg6[%swap3A_365, %swap3A_366], %broadcast_in_dim3A_3 {strides = array<i32>} : memref<32x1000xf32, #tpu.memory_space<vmem>>, vector<16xf32>,
      %swap3A_368 = arith.index_cast %add3A_56 : i32 to index
      %swap3A_369 = arith.constant 832 : index
      %swap3A_370 = tpu.vector_load %arg5[%swap3A_368, %swap3A_369] {strides = array<i32>} : memref<32x1000xf32, #tpu.memory_space<vmem>>, vector<16xf32>,
      tpu.vector_store %arg5[%swap3A_368, %swap3A_369], %broadcast_in_dim3A_3 {strides = array<i32>} : memref<32x1000xf32, #tpu.memory_space<vmem>>, vector<16xf32>,
      %swap3A_371 = arith.index_cast %add3A_56 : i32 to index
      %swap3A_372 = arith.constant 832 : index
      %swap3A_373 = tpu.vector_load %arg6[%swap3A_371, %swap3A_372] {strides = array<i32>} : memref<32x1000xf32, #tpu.memory_space<vmem>>, vector<16xf32>,
      tpu.vector_store %arg6[%swap3A_371, %swap3A_372], %broadcast_in_dim3A_3 {strides = array<i32>} : memref<32x1000xf32, #tpu.memory_space<vmem>>, vector<16xf32>,
      %swap3A_374 = arith.index_cast %add3A_56 : i32 to index
      %swap3A_375 = arith.constant 848 : index
      %swap3A_376 = tpu.vector_load %arg5[%swap3A_374, %swap3A_375] {strides = array<i32>} : memref<32x1000xf32, #tpu.memory_space<vmem>>, vector<16xf32>,
      tpu.vector_store %arg5[%swap3A_374, %swap3A_375], %broadcast_in_dim3A_3 {strides = array<i32>} : memref<32x1000xf32, #tpu.memory_space<vmem>>, vector<16xf32>,
      %swap3A_377 = arith.index_cast %add3A_56 : i32 to index
      %swap3A_378 = arith.constant 848 : index
      %swap3A_379 = tpu.vector_load %arg6[%swap3A_377, %swap3A_378] {strides = array<i32>} : memref<32x1000xf32, #tpu.memory_space<vmem>>, vector<16xf32>,
      tpu.vector_store %arg6[%swap3A_377, %swap3A_378], %broadcast_in_dim3A_3 {strides = array<i32>} : memref<32x1000xf32, #tpu.memory_space<vmem>>, vector<16xf32>,
      %swap3A_380 = arith.index_cast %add3A_56 : i32 to index
      %swap3A_381 = arith.constant 864 : index
      %swap3A_382 = tpu.vector_load %arg5[%swap3A_380, %swap3A_381] {strides = array<i32>} : memref<32x1000xf32, #tpu.memory_space<vmem>>, vector<16xf32>,
      tpu.vector_store %arg5[%swap3A_380, %swap3A_381], %broadcast_in_dim3A_3 {strides = array<i32>} : memref<32x1000xf32, #tpu.memory_space<vmem>>, vector<16xf32>,
      %swap3A_383 = arith.index_cast %add3A_56 : i32 to index
      %swap3A_384 = arith.constant 864 : index
      %swap3A_385 = tpu.vector_load %arg6[%swap3A_383, %swap3A_384] {strides = array<i32>} : memref<32x1000xf32, #tpu.memory_space<vmem>>, vector<16xf32>,
      tpu.vector_store %arg6[%swap3A_383, %swap3A_384], %broadcast_in_dim3A_3 {strides = array<i32>} : memref<32x1000xf32, #tpu.memory_space<vmem>>, vector<16xf32>,
      %swap3A_386 = arith.index_cast %add3A_56 : i32 to index
      %swap3A_387 = arith.constant 880 : index
      %swap3A_388 = tpu.vector_load %arg5[%swap3A_386, %swap3A_387] {strides = array<i32>} : memref<32x1000xf32, #tpu.memory_space<vmem>>, vector<16xf32>,
      tpu.vector_store %arg5[%swap3A_386, %swap3A_387], %broadcast_in_dim3A_3 {strides = array<i32>} : memref<32x1000xf32, #tpu.memory_space<vmem>>, vector<16xf32>,
      %swap3A_389 = arith.index_cast %add3A_56 : i32 to index
      %swap3A_390 = arith.constant 880 : index
      %swap3A_391 = tpu.vector_load %arg6[%swap3A_389, %swap3A_390] {strides = array<i32>} : memref<32x1000xf32, #tpu.memory_space<vmem>>, vector<16xf32>,
      tpu.vector_store %arg6[%swap3A_389, %swap3A_390], %broadcast_in_dim3A_3 {strides = array<i32>} : memref<32x1000xf32, #tpu.memory_space<vmem>>, vector<16xf32>,
      %swap3A_392 = arith.index_cast %add3A_56 : i32 to index
      %swap3A_393 = arith.constant 896 : index
      %swap3A_394 = tpu.vector_load %arg5[%swap3A_392, %swap3A_393] {strides = array<i32>} : memref<32x1000xf32, #tpu.memory_space<vmem>>, vector<16xf32>,
      tpu.vector_store %arg5[%swap3A_392, %swap3A_393], %broadcast_in_dim3A_3 {strides = array<i32>} : memref<32x1000xf32, #tpu.memory_space<vmem>>, vector<16xf32>,
      %swap3A_395 = arith.index_cast %add3A_56 : i32 to index
      %swap3A_396 = arith.constant 896 : index
      %swap3A_397 = tpu.vector_load %arg6[%swap3A_395, %swap3A_396] {strides = array<i32>} : memref<32x1000xf32, #tpu.memory_space<vmem>>, vector<16xf32>,
      tpu.vector_store %arg6[%swap3A_395, %swap3A_396], %broadcast_in_dim3A_3 {strides = array<i32>} : memref<32x1000xf32, #tpu.memory_space<vmem>>, vector<16xf32>,
      %swap3A_398 = arith.index_cast %add3A_56 : i32 to index
      %swap3A_399 = arith.constant 912 : index
      %swap3A_400 = tpu.vector_load %arg5[%swap3A_398, %swap3A_399] {strides = array<i32>} : memref<32x1000xf32, #tpu.memory_space<vmem>>, vector<16xf32>,
      tpu.vector_store %arg5[%swap3A_398, %swap3A_399], %broadcast_in_dim3A_3 {strides = array<i32>} : memref<32x1000xf32, #tpu.memory_space<vmem>>, vector<16xf32>,
      %swap3A_401 = arith.index_cast %add3A_56 : i32 to index
      %swap3A_402 = arith.constant 912 : index
      %swap3A_403 = tpu.vector_load %arg6[%swap3A_401, %swap3A_402] {strides = array<i32>} : memref<32x1000xf32, #tpu.memory_space<vmem>>, vector<16xf32>,
      tpu.vector_store %arg6[%swap3A_401, %swap3A_402], %broadcast_in_dim3A_3 {strides = array<i32>} : memref<32x1000xf32, #tpu.memory_space<vmem>>, vector<16xf32>,
      %swap3A_404 = arith.index_cast %add3A_56 : i32 to index
      %swap3A_405 = arith.constant 928 : index
      %swap3A_406 = tpu.vector_load %arg5[%swap3A_404, %swap3A_405] {strides = array<i32>} : memref<32x1000xf32, #tpu.memory_space<vmem>>, vector<16xf32>,
      tpu.vector_store %arg5[%swap3A_404, %swap3A_405], %broadcast_in_dim3A_3 {strides = array<i32>} : memref<32x1000xf32, #tpu.memory_space<vmem>>, vector<16xf32>,
      %swap3A_407 = arith.index_cast %add3A_56 : i32 to index
      %swap3A_408 = arith.constant 928 : index
      %swap3A_409 = tpu.vector_load %arg6[%swap3A_407, %swap3A_408] {strides = array<i32>} : memref<32x1000xf32, #tpu.memory_space<vmem>>, vector<16xf32>,
      tpu.vector_store %arg6[%swap3A_407, %swap3A_408], %broadcast_in_dim3A_3 {strides = array<i32>} : memref<32x1000xf32, #tpu.memory_space<vmem>>, vector<16xf32>,
      %swap3A_410 = arith.index_cast %add3A_56 : i32 to index
      %swap3A_411 = arith.constant 944 : index
      %swap3A_412 = tpu.vector_load %arg5[%swap3A_410, %swap3A_411] {strides = array<i32>} : memref<32x1000xf32, #tpu.memory_space<vmem>>, vector<16xf32>,
      tpu.vector_store %arg5[%swap3A_410, %swap3A_411], %broadcast_in_dim3A_3 {strides = array<i32>} : memref<32x1000xf32, #tpu.memory_space<vmem>>, vector<16xf32>,
      %swap3A_413 = arith.index_cast %add3A_56 : i32 to index
      %swap3A_414 = arith.constant 944 : index
      %swap3A_415 = tpu.vector_load %arg6[%swap3A_413, %swap3A_414] {strides = array<i32>} : memref<32x1000xf32, #tpu.memory_space<vmem>>, vector<16xf32>,
      tpu.vector_store %arg6[%swap3A_413, %swap3A_414], %broadcast_in_dim3A_3 {strides = array<i32>} : memref<32x1000xf32, #tpu.memory_space<vmem>>, vector<16xf32>,
      %swap3A_416 = arith.index_cast %add3A_56 : i32 to index
      %swap3A_417 = arith.constant 960 : index
      %swap3A_418 = tpu.vector_load %arg5[%swap3A_416, %swap3A_417] {strides = array<i32>} : memref<32x1000xf32, #tpu.memory_space<vmem>>, vector<16xf32>,
      tpu.vector_store %arg5[%swap3A_416, %swap3A_417], %broadcast_in_dim3A_3 {strides = array<i32>} : memref<32x1000xf32, #tpu.memory_space<vmem>>, vector<16xf32>,
      %swap3A_419 = arith.index_cast %add3A_56 : i32 to index
      %swap3A_420 = arith.constant 960 : index
      %swap3A_421 = tpu.vector_load %arg6[%swap3A_419, %swap3A_420] {strides = array<i32>} : memref<32x1000xf32, #tpu.memory_space<vmem>>, vector<16xf32>,
      tpu.vector_store %arg6[%swap3A_419, %swap3A_420], %broadcast_in_dim3A_3 {strides = array<i32>} : memref<32x1000xf32, #tpu.memory_space<vmem>>, vector<16xf32>,
      %swap3A_422 = arith.index_cast %add3A_56 : i32 to index
      %swap3A_423 = arith.constant 976 : index
      %swap3A_424 = tpu.vector_load %arg5[%swap3A_422, %swap3A_423] {strides = array<i32>} : memref<32x1000xf32, #tpu.memory_space<vmem>>, vector<16xf32>,
      tpu.vector_store %arg5[%swap3A_422, %swap3A_423], %broadcast_in_dim3A_3 {strides = array<i32>} : memref<32x1000xf32, #tpu.memory_space<vmem>>, vector<16xf32>,
      %swap3A_425 = arith.index_cast %add3A_56 : i32 to index
      %swap3A_426 = arith.constant 976 : index
      %swap3A_427 = tpu.vector_load %arg6[%swap3A_425, %swap3A_426] {strides = array<i32>} : memref<32x1000xf32, #tpu.memory_space<vmem>>, vector<16xf32>,
      tpu.vector_store %arg6[%swap3A_425, %swap3A_426], %broadcast_in_dim3A_3 {strides = array<i32>} : memref<32x1000xf32, #tpu.memory_space<vmem>>, vector<16xf32>,
      %swap3A_428 = arith.index_cast %add3A_56 : i32 to index
      %swap3A_429 = arith.constant 984 : index
      %swap3A_430 = tpu.vector_load %arg5[%swap3A_428, %swap3A_429] {strides = array<i32>} : memref<32x1000xf32, #tpu.memory_space<vmem>>, vector<16xf32>,
      tpu.vector_store %arg5[%swap3A_428, %swap3A_429], %broadcast_in_dim3A_3 {strides = array<i32>} : memref<32x1000xf32, #tpu.memory_space<vmem>>, vector<16xf32>,
      %swap3A_431 = arith.index_cast %add3A_56 : i32 to index
      %swap3A_432 = arith.constant 984 : index
      %swap3A_433 = tpu.vector_load %arg6[%swap3A_431, %swap3A_432] {strides = array<i32>} : memref<32x1000xf32, #tpu.memory_space<vmem>>, vector<16xf32>,
      tpu.vector_store %arg6[%swap3A_431, %swap3A_432], %broadcast_in_dim3A_3 {strides = array<i32>} : memref<32x1000xf32, #tpu.memory_space<vmem>>, vector<16xf32>,
    }
    %scan3A_9 = arith.constant 32 : i32
    %get3A = arith.constant 0 : index
    %get3A_10 = tpu.vector_load %arg4[%get3A] {strides = array<i32>} : memref<512xi32, #tpu.memory_space<vmem>>, vector<16xi32>,
    %add3A_11 = arith.constant 0 : i32
    %add3A_12 = vector.broadcast %add3A_11 : i32 to vector<16xi32>
    %add3A_13 = arith.addi %iota3A, %add3A_12 : vector<16xi32>
    tpu.vector_store_idx %arg5[%add3A_13, %get3A_10], %broadcast_in_dim3A_5 : memref<32x1000xf32, #tpu.memory_space<vmem>>[vector<16xi32>, vector<16xi32>], vector<16xf32>,
    %get3A_14 = arith.constant 16 : index
    %get3A_15 = tpu.vector_load %arg4[%get3A_14] {strides = array<i32>} : memref<512xi32, #tpu.memory_space<vmem>>, vector<16xi32>,
    %add3A_16 = arith.constant 16 : i32
    %add3A_17 = vector.broadcast %add3A_16 : i32 to vector<16xi32>
    %add3A_18 = arith.addi %iota3A, %add3A_17 : vector<16xi32>
    tpu.vector_store_idx %arg5[%add3A_18, %get3A_15], %broadcast_in_dim3A_5 : memref<32x1000xf32, #tpu.memory_space<vmem>>[vector<16xi32>, vector<16xi32>], vector<16xf32>,
    %add3A_19 = arith.constant 0 : i32
    %add3A_20 = arith.addi %mul3A_2, %add3A_19 : i32
    %dma_start3A = arith.constant 0 : i32
    %dma_start3A_21 = tpu.memref_slice %arg3[%add3A_20, %dma_start3A] : memref<16384x1000xf32, #tpu.memory_space<hbm>> -> memref<32x1000xf32, #tpu.memory_space<hbm>>
    %dma_start3A_22 = arith.constant 0 : i32
    %dma_start3A_23 = tpu.memref_slice %arg3[%add3A_20, %dma_start3A_22] : memref<16384x1000xf32, #tpu.memory_space<hbm>> -> memref<32x1000xf32, #tpu.memory_space<hbm>>
    tpu.enqueue_dma source(%arg5 : memref<32x1000xf32, #tpu.memory_space<vmem>>) target(%dma_start3A_23 : memref<32x1000xf32, #tpu.memory_space<hbm>>) target_semaphore(%arg7 : memref<!tpu.dma_semaphore, #tpu.memory_space<semaphore_mem>>)
    %get3A_24 = arith.constant 32 : index
    %get3A_25 = tpu.vector_load %arg4[%get3A_24] {strides = array<i32>} : memref<512xi32, #tpu.memory_space<vmem>>, vector<16xi32>,
    %add3A_26 = arith.constant 0 : i32
    %add3A_27 = vector.broadcast %add3A_26 : i32 to vector<16xi32>
    %add3A_28 = arith.addi %iota3A, %add3A_27 : vector<16xi32>
    tpu.vector_store_idx %arg6[%add3A_28, %get3A_25], %broadcast_in_dim3A_5 : memref<32x1000xf32, #tpu.memory_space<vmem>>[vector<16xi32>, vector<16xi32>], vector<16xf32>,
    %get3A_29 = arith.constant 48 : index
    %get3A_30 = tpu.vector_load %arg4[%get3A_29] {strides = array<i32>} : memref<512xi32, #tpu.memory_space<vmem>>, vector<16xi32>,
    %add3A_31 = arith.constant 16 : i32
    %add3A_32 = vector.broadcast %add3A_31 : i32 to vector<16xi32>
    %add3A_33 = arith.addi %iota3A, %add3A_32 : vector<16xi32>
    tpu.vector_store_idx %arg6[%add3A_33, %get3A_30], %broadcast_in_dim3A_5 : memref<32x1000xf32, #tpu.memory_space<vmem>>[vector<16xi32>, vector<16xi32>], vector<16xf32>,
    %add3A_34 = arith.constant 32 : i32
    %add3A_35 = arith.addi %mul3A_2, %add3A_34 : i32
    %dma_start3A_36 = arith.constant 0 : i32
    %dma_start3A_37 = tpu.memref_slice %arg3[%add3A_35, %dma_start3A_36] : memref<16384x1000xf32, #tpu.memory_space<hbm>> -> memref<32x1000xf32, #tpu.memory_space<hbm>>
    %dma_start3A_38 = arith.constant 0 : i32
    %dma_start3A_39 = tpu.memref_slice %arg3[%add3A_35, %dma_start3A_38] : memref<16384x1000xf32, #tpu.memory_space<hbm>> -> memref<32x1000xf32, #tpu.memory_space<hbm>>
    tpu.enqueue_dma source(%arg6 : memref<32x1000xf32, #tpu.memory_space<vmem>>) target(%dma_start3A_39 : memref<32x1000xf32, #tpu.memory_space<hbm>>) target_semaphore(%arg8 : memref<!tpu.dma_semaphore, #tpu.memory_space<semaphore_mem>>)
    %scan3A_40 = arith.constant 0 : i32
    %scan3A_41 = arith.constant 7 : i32
    %scan3A_42 = arith.addi %scan3A_40, %scan3A_41 : i32
    %scan3A_43 = arith.constant 1 : i32
    scf.for %scan3A_52 = %scan3A_40 to %scan3A_42 step %scan3A_43  : i32 {
      %mul3A_53 = arith.constant 1 : i32
      %mul3A_54 = arith.muli %scan3A_52, %mul3A_53 : i32
      %add3A_55 = arith.constant 0 : i32
      %add3A_56 = arith.addi %add3A_55, %mul3A_54 : i32
      %mul3A_57 = arith.constant 2 : i32
      %mul3A_58 = arith.muli %mul3A_57, %add3A_56 : i32
      %dma_wait3A_59 = arith.constant 0 : i32
      %dma_wait3A_60 = tpu.memref_slice %arg3[%mul3A_2, %dma_wait3A_59] : memref<16384x1000xf32, #tpu.memory_space<hbm>> -> memref<32x1000xf32, #tpu.memory_space<hbm>>
      %dma_wait3A_61 = arith.constant 0 : i32
      %dma_wait3A_62 = tpu.memref_slice %arg3[%mul3A_2, %dma_wait3A_61] : memref<16384x1000xf32, #tpu.memory_space<hbm>> -> memref<32x1000xf32, #tpu.memory_space<hbm>>
      tpu.wait_dma2 semaphore(%arg7 : memref<!tpu.dma_semaphore, #tpu.memory_space<semaphore_mem>>) src(%arg5 : memref<32x1000xf32, #tpu.memory_space<vmem>>) dst(%dma_wait3A_62 : memref<32x1000xf32, #tpu.memory_space<hbm>>)
      %mul3A_63 = arith.constant 32 : i32
      %mul3A_64 = arith.muli %mul3A_58, %mul3A_63 : i32
      %add3A_65 = arith.constant 0 : i32
      %add3A_66 = arith.addi %mul3A_64, %add3A_65 : i32
      %get3A_67 = arith.index_cast %add3A_66 : i32 to index
      %get3A_68 = tpu.vector_load %arg4[%get3A_67] {strides = array<i32>} : memref<512xi32, #tpu.memory_space<vmem>>, vector<16xi32>,
      %add3A_69 = arith.constant 0 : i32
      %add3A_70 = vector.broadcast %add3A_69 : i32 to vector<16xi32>
      %add3A_71 = arith.addi %iota3A, %add3A_70 : vector<16xi32>
      tpu.vector_store_idx %arg5[%add3A_71, %get3A_68], %broadcast_in_dim3A_3 : memref<32x1000xf32, #tpu.memory_space<vmem>>[vector<16xi32>, vector<16xi32>], vector<16xf32>,
      %mul3A_72 = arith.constant 32 : i32
      %mul3A_73 = arith.muli %mul3A_58, %mul3A_72 : i32
      %add3A_74 = arith.constant 16 : i32
      %add3A_75 = arith.addi %mul3A_73, %add3A_74 : i32
      %get3A_76 = arith.index_cast %add3A_75 : i32 to index
      %get3A_77 = tpu.vector_load %arg4[%get3A_76] {strides = array<i32>} : memref<512xi32, #tpu.memory_space<vmem>>, vector<16xi32>,
      %add3A_78 = arith.constant 16 : i32
      %add3A_79 = vector.broadcast %add3A_78 : i32 to vector<16xi32>
      %add3A_80 = arith.addi %iota3A, %add3A_79 : vector<16xi32>
      tpu.vector_store_idx %arg5[%add3A_80, %get3A_77], %broadcast_in_dim3A_3 : memref<32x1000xf32, #tpu.memory_space<vmem>>[vector<16xi32>, vector<16xi32>], vector<16xf32>,
      %add3A_81 = arith.constant 2 : i32
      %add3A_82 = arith.addi %mul3A_58, %add3A_81 : i32
      %mul3A_83 = arith.constant 32 : i32
      %mul3A_84 = arith.muli %add3A_82, %mul3A_83 : i32
      %add3A_85 = arith.constant 0 : i32
      %add3A_86 = arith.addi %mul3A_84, %add3A_85 : i32
      %get3A_87 = arith.index_cast %add3A_86 : i32 to index
      %get3A_88 = tpu.vector_load %arg4[%get3A_87] {strides = array<i32>} : memref<512xi32, #tpu.memory_space<vmem>>, vector<16xi32>,
      %add3A_89 = arith.constant 0 : i32
      %add3A_90 = vector.broadcast %add3A_89 : i32 to vector<16xi32>
      %add3A_91 = arith.addi %iota3A, %add3A_90 : vector<16xi32>
      tpu.vector_store_idx %arg5[%add3A_91, %get3A_88], %broadcast_in_dim3A_5 : memref<32x1000xf32, #tpu.memory_space<vmem>>[vector<16xi32>, vector<16xi32>], vector<16xf32>,
      %mul3A_92 = arith.constant 32 : i32
      %mul3A_93 = arith.muli %add3A_82, %mul3A_92 : i32
      %add3A_94 = arith.constant 16 : i32
      %add3A_95 = arith.addi %mul3A_93, %add3A_94 : i32
      %get3A_96 = arith.index_cast %add3A_95 : i32 to index
      %get3A_97 = tpu.vector_load %arg4[%get3A_96] {strides = array<i32>} : memref<512xi32, #tpu.memory_space<vmem>>, vector<16xi32>,
      %add3A_98 = arith.constant 16 : i32
      %add3A_99 = vector.broadcast %add3A_98 : i32 to vector<16xi32>
      %add3A_100 = arith.addi %iota3A, %add3A_99 : vector<16xi32>
      tpu.vector_store_idx %arg5[%add3A_100, %get3A_97], %broadcast_in_dim3A_5 : memref<32x1000xf32, #tpu.memory_space<vmem>>[vector<16xi32>, vector<16xi32>], vector<16xf32>,
      %add3A_101 = arith.constant 2 : i32
      %add3A_102 = arith.addi %mul3A_58, %add3A_101 : i32
      %mul3A_103 = arith.constant 32 : i32
      %mul3A_104 = arith.muli %add3A_102, %mul3A_103 : i32
      %add3A_105 = arith.addi %mul3A_2, %mul3A_104 : i32
      %dma_start3A_106 = arith.constant 0 : i32
      %dma_start3A_107 = tpu.memref_slice %arg3[%add3A_105, %dma_start3A_106] : memref<16384x1000xf32, #tpu.memory_space<hbm>> -> memref<32x1000xf32, #tpu.memory_space<hbm>>
      %dma_start3A_108 = arith.constant 0 : i32
      %dma_start3A_109 = tpu.memref_slice %arg3[%add3A_105, %dma_start3A_108] : memref<16384x1000xf32, #tpu.memory_space<hbm>> -> memref<32x1000xf32, #tpu.memory_space<hbm>>
      tpu.enqueue_dma source(%arg5 : memref<32x1000xf32, #tpu.memory_space<vmem>>) target(%dma_start3A_109 : memref<32x1000xf32, #tpu.memory_space<hbm>>) target_semaphore(%arg7 : memref<!tpu.dma_semaphore, #tpu.memory_space<semaphore_mem>>)
      %dma_wait3A_110 = arith.constant 0 : i32
      %dma_wait3A_111 = tpu.memref_slice %arg3[%mul3A_2, %dma_wait3A_110] : memref<16384x1000xf32, #tpu.memory_space<hbm>> -> memref<32x1000xf32, #tpu.memory_space<hbm>>
      %dma_wait3A_112 = arith.constant 0 : i32
      %dma_wait3A_113 = tpu.memref_slice %arg3[%mul3A_2, %dma_wait3A_112] : memref<16384x1000xf32, #tpu.memory_space<hbm>> -> memref<32x1000xf32, #tpu.memory_space<hbm>>
      tpu.wait_dma2 semaphore(%arg8 : memref<!tpu.dma_semaphore, #tpu.memory_space<semaphore_mem>>) src(%arg6 : memref<32x1000xf32, #tpu.memory_space<vmem>>) dst(%dma_wait3A_113 : memref<32x1000xf32, #tpu.memory_space<hbm>>)
      %add3A_114 = arith.constant 1 : i32
      %add3A_115 = arith.addi %mul3A_58, %add3A_114 : i32
      %mul3A_116 = arith.constant 32 : i32
      %mul3A_117 = arith.muli %add3A_115, %mul3A_116 : i32
      %add3A_118 = arith.constant 0 : i32
      %add3A_119 = arith.addi %mul3A_117, %add3A_118 : i32
      %get3A_120 = arith.index_cast %add3A_119 : i32 to index
      %get3A_121 = tpu.vector_load %arg4[%get3A_120] {strides = array<i32>} : memref<512xi32, #tpu.memory_space<vmem>>, vector<16xi32>,
      %add3A_122 = arith.constant 0 : i32
      %add3A_123 = vector.broadcast %add3A_122 : i32 to vector<16xi32>
      %add3A_124 = arith.addi %iota3A, %add3A_123 : vector<16xi32>
      tpu.vector_store_idx %arg6[%add3A_124, %get3A_121], %broadcast_in_dim3A_3 : memref<32x1000xf32, #tpu.memory_space<vmem>>[vector<16xi32>, vector<16xi32>], vector<16xf32>,
      %mul3A_125 = arith.constant 32 : i32
      %mul3A_126 = arith.muli %add3A_115, %mul3A_125 : i32
      %add3A_127 = arith.constant 16 : i32
      %add3A_128 = arith.addi %mul3A_126, %add3A_127 : i32
      %get3A_129 = arith.index_cast %add3A_128 : i32 to index
      %get3A_130 = tpu.vector_load %arg4[%get3A_129] {strides = array<i32>} : memref<512xi32, #tpu.memory_space<vmem>>, vector<16xi32>,
      %add3A_131 = arith.constant 16 : i32
      %add3A_132 = vector.broadcast %add3A_131 : i32 to vector<16xi32>
      %add3A_133 = arith.addi %iota3A, %add3A_132 : vector<16xi32>
      tpu.vector_store_idx %arg6[%add3A_133, %get3A_130], %broadcast_in_dim3A_3 : memref<32x1000xf32, #tpu.memory_space<vmem>>[vector<16xi32>, vector<16xi32>], vector<16xf32>,
      %add3A_134 = arith.constant 3 : i32
      %add3A_135 = arith.addi %mul3A_58, %add3A_134 : i32
      %mul3A_136 = arith.constant 32 : i32
      %mul3A_137 = arith.muli %add3A_135, %mul3A_136 : i32
      %add3A_138 = arith.constant 0 : i32
      %add3A_139 = arith.addi %mul3A_137, %add3A_138 : i32
      %get3A_140 = arith.index_cast %add3A_139 : i32 to index
      %get3A_141 = tpu.vector_load %arg4[%get3A_140] {strides = array<i32>} : memref<512xi32, #tpu.memory_space<vmem>>, vector<16xi32>,
      %add3A_142 = arith.constant 0 : i32
      %add3A_143 = vector.broadcast %add3A_142 : i32 to vector<16xi32>
      %add3A_144 = arith.addi %iota3A, %add3A_143 : vector<16xi32>
      tpu.vector_store_idx %arg6[%add3A_144, %get3A_141], %broadcast_in_dim3A_5 : memref<32x1000xf32, #tpu.memory_space<vmem>>[vector<16xi32>, vector<16xi32>], vector<16xf32>,
      %mul3A_145 = arith.constant 32 : i32
      %mul3A_146 = arith.muli %add3A_135, %mul3A_145 : i32
      %add3A_147 = arith.constant 16 : i32
      %add3A_148 = arith.addi %mul3A_146, %add3A_147 : i32
      %get3A_149 = arith.index_cast %add3A_148 : i32 to index
      %get3A_150 = tpu.vector_load %arg4[%get3A_149] {strides = array<i32>} : memref<512xi32, #tpu.memory_space<vmem>>, vector<16xi32>,
      %add3A_151 = arith.constant 16 : i32
      %add3A_152 = vector.broadcast %add3A_151 : i32 to vector<16xi32>
      %add3A_153 = arith.addi %iota3A, %add3A_152 : vector<16xi32>
      tpu.vector_store_idx %arg6[%add3A_153, %get3A_150], %broadcast_in_dim3A_5 : memref<32x1000xf32, #tpu.memory_space<vmem>>[vector<16xi32>, vector<16xi32>], vector<16xf32>,
      %add3A_154 = arith.constant 3 : i32
      %add3A_155 = arith.addi %mul3A_58, %add3A_154 : i32
      %mul3A_156 = arith.constant 32 : i32
      %mul3A_157 = arith.muli %add3A_155, %mul3A_156 : i32
      %add3A_158 = arith.addi %mul3A_2, %mul3A_157 : i32
      %dma_start3A_159 = arith.constant 0 : i32
      %dma_start3A_160 = tpu.memref_slice %arg3[%add3A_158, %dma_start3A_159] : memref<16384x1000xf32, #tpu.memory_space<hbm>> -> memref<32x1000xf32, #tpu.memory_space<hbm>>
      %dma_start3A_161 = arith.constant 0 : i32
      %dma_start3A_162 = tpu.memref_slice %arg3[%add3A_158, %dma_start3A_161] : memref<16384x1000xf32, #tpu.memory_space<hbm>> -> memref<32x1000xf32, #tpu.memory_space<hbm>>
      tpu.enqueue_dma source(%arg6 : memref<32x1000xf32, #tpu.memory_space<vmem>>) target(%dma_start3A_162 : memref<32x1000xf32, #tpu.memory_space<hbm>>) target_semaphore(%arg8 : memref<!tpu.dma_semaphore, #tpu.memory_space<semaphore_mem>>)
    }
    %scan3A_44 = arith.constant 7 : i32
    %dma_wait3A = arith.constant 0 : i32
    %dma_wait3A_45 = tpu.memref_slice %arg3[%mul3A_2, %dma_wait3A] : memref<16384x1000xf32, #tpu.memory_space<hbm>> -> memref<32x1000xf32, #tpu.memory_space<hbm>>
    %dma_wait3A_46 = arith.constant 0 : i32
    %dma_wait3A_47 = tpu.memref_slice %arg3[%mul3A_2, %dma_wait3A_46] : memref<16384x1000xf32, #tpu.memory_space<hbm>> -> memref<32x1000xf32, #tpu.memory_space<hbm>>
    tpu.wait_dma2 semaphore(%arg7 : memref<!tpu.dma_semaphore, #tpu.memory_space<semaphore_mem>>) src(%arg5 : memref<32x1000xf32, #tpu.memory_space<vmem>>) dst(%dma_wait3A_47 : memref<32x1000xf32, #tpu.memory_space<hbm>>)
    %dma_wait3A_48 = arith.constant 0 : i32
    %dma_wait3A_49 = tpu.memref_slice %arg3[%mul3A_2, %dma_wait3A_48] : memref<16384x1000xf32, #tpu.memory_space<hbm>> -> memref<32x1000xf32, #tpu.memory_space<hbm>>
    %dma_wait3A_50 = arith.constant 0 : i32
    %dma_wait3A_51 = tpu.memref_slice %arg3[%mul3A_2, %dma_wait3A_50] : memref<16384x1000xf32, #tpu.memory_space<hbm>> -> memref<32x1000xf32, #tpu.memory_space<hbm>>
    tpu.wait_dma2 semaphore(%arg8 : memref<!tpu.dma_semaphore, #tpu.memory_space<semaphore_mem>>) src(%arg6 : memref<32x1000xf32, #tpu.memory_space<vmem>>) dst(%dma_wait3A_51 : memref<32x1000xf32, #tpu.memory_space<hbm>>)
    return
  }
}

</mosaic_0001>

<sc_bundles>
// kernel: kernel.3.cloned.1.call-start
scs
__scs_entry_jumppad:
0x0: {  	(pc) =	sbr.rel $0x88, $3  }
0x1: {  	(tag) =	ssettag $0x0;
	lr =	simm.s32 $0x1  }
0x2: {  	[smem:$0x3FA0] =	sst lr;
	_ =	strace $0xD0000000  }
0x3: {  	_ = 	snop  }
0x4: {  	_ = 	snop  }
0x5: {  	_ = 	snop  }
0x6: {  	_ = 	snop  }
0x7: {  	_ = 	snop  }
__scs_overlays_trampoline_lowered:
0x8: {  	[smem:$0x3FAF] =	sst s0  }
0x9: {  	[smem:$0x3FB0] =	sst s1  }
0xa: {  	[smem:$0x3FB1] =	sst s2  }
0xb: {  	[smem:$0x3FB2] =	sst s3  }
0xc: {  	[smem:$0x3FB3] =	sst s4  }
0xd: {  	[smem:$0x3FB4] =	sst s5  }
0xe: {  	[smem:$0x3FB5] =	sst s6  }
0xf: {  	[smem:$0x3FB6] =	sst s7  }
0x10: {  	[smem:$0x3FB7] =	sst s8  }
0x11: {  	[smem:$0x3FB8] =	sst s9;
	s0 =	simm.s32 @!p0 $0x0  }
0x12: {  	s1 =	sld [smem:$0x3F9E];
	s0 =	simm.s32 @p0 $0x1  }
0x13: {  	[smem:$0x3FB9] =	sst s0;
	s0 =	simm.s32 @!p1 $0x0  }
0x14: {  	s2 =	sld [smem:$0x3F9D];
	s0 =	simm.s32 @p1 $0x1  }
0x15: {  	[smem:$0x3FBA] =	sst s0;
	s0 =	simm.s32 @!p2 $0x0  }
0x16: {  	s3 =	sld [smem:$0x3FDB];
	s0 =	simm.s32 @p2 $0x1  }
0x17: {  	s4 =	simm.s32 $0x1BF5;
	[smem:$0x3FBC] =	sst s0  }
0x18: {  	s0 =	sld [smem:$0x3F9F];
	_ =	swait.ge [sflag:s4], $0x0  }
0x19: {  	s7 =	sld [smem:$0x3FA0]  }
0x1a: {  	s8 =	sadd.s32 $0xFFFFE003, lr  }
0x1b: {  	s9 =	sadd.s32 $0xFFFFFEF7, lr;
	s5 =	simm.s32 $0xFFFFFFFF;
	p2 =	slt.u32 s8, $0xFFFFF086  }
0x1c: {  	p1 =	slt.u32 s9, $0xF7A;
	s5 =	simm.s32 @!p2 $0x0  }
0x1d: {  	s5 =	simm.s32 @p1 $0x1;
	p0 =	seq.s32 s7, s2  }
0x1e: {  	s7 =	smul.u32 @!p0 $0xF7A, s2;
	p2 =	seq.s32 @!p0 s5, $0x0  }
0x1f: {  	s9 =	smul.u32 $0xF7A, s1;
	s8 =	simm.s32 @!p0 $0x1BF5;
	p2 =	por !p2, p0  }
0x20: {  	[sflag:s8] =	ssyncset.s32 @!p0 $0xFFFFF086;
	s6 =	sadd.s32 @!p0 s3, s7;
	s7 =	simm.s32 @!p0 $0x108  }
0x21: {  	s3 =	sadd.s32 s3, s9;
	s6 =	sadd.s32 @!p0 $0x88, s6;
	s7 =	simm.s32 @p2 $0x1082  }
0x22: {  	[simem:s7], [sflag:s8] =	dma.local @!p0 [hbm:s6], $0xF7A  }
0x23: {  	s9 =	sor.u32 $0xD0000000, s2;
	s6 =	simm.s32 $0x108;
	_ =	swait.ge @!p0 [sflag:s8], $0x0  }
0x24: {  	s3 =	sadd.s32 $0x88, s3;
	s6 =	simm.s32 @!p1 $0x1082;
	[sflag:s4] =	ssyncset.s32 $0xFFFFF086  }
0x25: {  	[simem:s6], [sflag:s4] =	dma.local [hbm:s3], $0xF7A  }
0x26: {  	[smem:$0x3FA0] =	sst s1;
	(tag) =	ssettag s2;
	_ =	strace s9  }
0x27: {  	s1 =	sld [smem:$0x3FB0]  }
0x28: {  	s2 =	sld [smem:$0x3FB1]  }
0x29: {  	s4 =	sld [smem:$0x3FB3]  }
0x2a: {  	p0 =	seq.s32 s5, $0x0;
	s5 =	sld [smem:$0x3FB4]  }
0x2b: {  	s6 =	sld [smem:$0x3FB5]  }
0x2c: {  	s7 =	sld [smem:$0x3FB6]  }
0x2d: {  	s3 =	simm.s32 $0x108;
	s8 =	sld [smem:$0x3FB7]  }
0x2e: {  	s3 =	simm.s32 @!p0 $0x1082;
	s9 =	sld [smem:$0x3FB8]  }
0x2f: {  	lr =	sadd.s32 s0, s3;
	s0 =	sld [smem:$0x3FAF]  }
0x30: {  	s3 =	sld [smem:$0x3FB2]  }
0x31: {  	[smem:$0x3FBB] =	sst s10  }
0x32: {  	s10 =	sld [smem:$0x3FB9];
	_ =	sdelay $0x3  }
0x33: {  	p0 =	seq.s32 s10, $0x1;
	s10 =	sld [smem:$0x3FBB];
	_ =	sdelay $0x3  }
0x34: {  	[smem:$0x3FBB] =	sst s10  }
0x35: {  	s10 =	sld [smem:$0x3FBA];
	_ =	sdelay $0x3  }
0x36: {  	p1 =	seq.s32 s10, $0x1;
	s10 =	sld [smem:$0x3FBB];
	_ =	sdelay $0x3  }
0x37: {  	[smem:$0x3FBB] =	sst s10  }
0x38: {  	s10 =	sld [smem:$0x3FBC]  }
0x39: {  	_ = 	snop;
	(pc) =	sbr.ind lr, $3  }
0x3a: {  	_ = 	snop  }
0x3b: {  	_ = 	snop  }
0x3c: {  	p2 =	seq.s32 s10, $0x1;
	s10 =	sld [smem:$0x3FBB]  }
0x3d: {  	_ =	shalt  }
0x3e: {  	_ =	shalt  }
0x3f: {  	_ =	shalt  }
0x40: {  	_ =	shalt  }
0x41: {  	_ =	shalt  }
0x42: {  	_ =	shalt  }
0x43: {  	_ =	shalt  }
0x44: {  	_ =	shalt  }
0x45: {  	_ =	shalt  }
0x46: {  	_ =	shalt  }
0x47: {  	_ =	shalt  }
0x48: {  	_ =	shalt  }
0x49: {  	_ =	shalt  }
0x4a: {  	_ =	shalt  }
0x4b: {  	_ =	shalt  }
0x4c: {  	_ =	shalt  }
0x4d: {  	_ =	shalt  }
0x4e: {  	_ =	shalt  }
0x4f: {  	_ =	shalt  }
0x50: {  	_ =	shalt  }
0x51: {  	_ =	shalt  }
0x52: {  	_ =	shalt  }
0x53: {  	_ =	shalt  }
0x54: {  	_ =	shalt  }
0x55: {  	_ =	shalt  }
0x56: {  	_ =	shalt  }
0x57: {  	_ =	shalt  }
0x58: {  	_ =	shalt  }
0x59: {  	_ =	shalt  }
0x5a: {  	_ =	shalt  }
0x5b: {  	_ =	shalt  }
0x5c: {  	_ =	shalt  }
0x5d: {  	_ =	shalt  }
0x5e: {  	_ =	shalt  }
0x5f: {  	_ =	shalt  }
0x60: {  	_ =	shalt  }
0x61: {  	_ =	shalt  }
0x62: {  	_ =	shalt  }
0x63: {  	_ =	shalt  }
0x64: {  	_ =	shalt  }
0x65: {  	_ =	shalt  }
0x66: {  	_ =	shalt  }
0x67: {  	_ =	shalt  }
0x68: {  	_ =	shalt  }
0x69: {  	_ =	shalt  }
0x6a: {  	_ =	shalt  }
0x6b: {  	_ =	shalt  }
0x6c: {  	_ =	shalt  }
0x6d: {  	_ =	shalt  }
0x6e: {  	_ =	shalt  }
0x6f: {  	_ =	shalt  }
0x70: {  	_ =	shalt  }
0x71: {  	_ =	shalt  }
0x72: {  	_ =	shalt  }
0x73: {  	_ =	shalt  }
0x74: {  	_ =	shalt  }
0x75: {  	_ =	shalt  }
0x76: {  	_ =	shalt  }
0x77: {  	_ =	shalt  }
0x78: {  	_ =	shalt  }
0x79: {  	_ =	shalt  }
0x7a: {  	_ =	shalt  }
0x7b: {  	_ =	shalt  }
0x7c: {  	_ =	shalt  }
0x7d: {  	_ =	shalt  }
0x7e: {  	_ =	shalt  }
0x7f: {  	_ =	shalt  }
0x80: {  	_ =	shalt  }
0x81: {  	_ =	shalt  }
0x82: {  	_ =	shalt  }
0x83: {  	_ =	shalt  }
0x84: {  	_ =	shalt  }
0x85: {  	_ =	shalt  }
0x86: {  	_ =	shalt  }
0x87: {  	_ =	shalt  }
.Lfunc_end0:
.L_simem_size_0:
called_computation_lowered:
.L_overlay_start_0:
0x88: {  	s2 =	sld [smem:$0x3FD9]  }
0x89: {  	s3 =	sld [smem:$0x3FFE];
	_ =	sdelay $0x1  }
0x8a: {  	s1 =	srdreg.scid  }
0x8b: {  	s0 =	sand.u32 $0x1, s1  }
0x8c: {  	s17 =	sshll.u32 s0, $0xA;
	s2 =	sadd.s32 s3, s2  }
0x8d: {  	s2 =	sadd.s32 s2, s17  }
0x8e: {  	[smem:$0x3FC7] =	sst s2  }
0x8f: {  	_ = 	snop  }
0x90: {  	s2 =	sld [smem:$0x3FC9];
	(tm) =	ssettm $0x1  }
0x91: {  	s18 =	sld [smem:$0x3FFB];
	_ =	sdelay $0x3  }
0x92: {  	_ =	strace s18  }
0x93: {  	s3 =	sld [smem:$0x3FFC];
	_ =	sdelay $0x3  }
0x94: {  	_ =	strace s3  }
0x95: {  	s3 =	sld [smem:$0x3FFD];
	_ =	sdelay $0x3  }
0x96: {  	_ =	strace s3  }
0x97: {  	_ =	strace $0x8FFFFFFF  }
0x98: {  	s19 =	sld [smem:$0x3FDB];
	_ =	sdelay $0x1  }
0x99: {  	s4 =	simm.s32 $_scs_section_size  }
0x9a: {  	s5 =	simm.s32 $_size__tile_overlayer_lowered;
	s6 =	simm.s32 $_tile_overlayer_lowered  }
0x9b: {  	s22 =	simm.s32 $0x1BFF;
	s21 =	sshll.u32 s6, $0x1;
	s3 =	sadd.s32 s4, s19  }
0x9c: {  	s7 =	simm.s32 $0x0;
	s20 =	sshll.u32 s5, $0x1;
	s5 =	sadd.s32 s21, s3  }
0x9d: {  	[timem:s7], [sflag:s22] =	dma.local [hbm:s5], s20  }
0x9e: {  	_ =	swait.ge [sflag:s22], s20  }
0x9f: {  	s4 =	ssub.s32 $0x0, s20;
	[sflag:s22] =	ssyncset.done $0x0  }
0xa0: {  	[sflag:s22] =	ssyncadd.s32 s4;
	_ =	sdelay $0x1  }
0xa1: {  	s23 =	simm.s32 $0x1B8B  }
0xa2: {  	_ =	swait.ge [sflag:s23], $0x1  }
0xa3: {  	[sflag:s23] =	ssyncset.done $0x0  }
0xa4: {  	s25 =	simm.s32 $0x1B8E;
	s24 =	sld [smem:$0x3FFE];
	[sflag:s23] =	ssyncadd.s32 $0xFFFFFFFF  }
0xa5: {  	s26 =	simm.s32 $execute0_lowered;
	[smem:$0x3FD2] =	sst s25  }
0xa6: {  	s5 =	sshll.u32 s26, $0x1;
	_ =	strace $0x80000046;
	[dreg:$0x1] =	wrdreg $0xFFFFFFFF  }
0xa7: {  	s28 =	simm.s32 $_size_execute0_lowered;
	s3 =	sadd.s32 s3, s5;
	[dreg:$0x0] =	wrdreg $0x0  }
0xa8: {  	s5 =	sshll.u32 s28, $0x1;
	[dreg:$0x2] =	wrdreg s3  }
0xa9: {  	[dreg:$0x3] =	wrdreg s5  }
0xaa: {  	[dreg:$0x4] =	wrdreg $0xC0  }
0xab: {  	_ =	task [dreg:s7], $0x5FFFF  }
0xac: {  	[dreg:$0x1] =	wrdreg $0xFFFFFFFF  }
0xad: {  	[dreg:$0x0] =	wrdreg $0x60  }
0xae: {  	[dreg:$0x2] =	wrdreg s2  }
0xaf: {  	[dreg:$0x3] =	wrdreg s24  }
0xb0: {  	[dreg:$0x4] =	wrdreg $0x9  }
0xb1: {  	_ =	task.clear_ibuf [dreg:s7], $0x5FFFF;
	_ =	strace $0x90000046  }
0xb2: {  	s29 =	simm.s32 $0x9;
	_ =	strace $0x80000048  }
0xb3: {  	_ =	swait.ge [sflag:s29], $0x1  }
0xb4: {  	[sflag:s29] =	ssyncadd.s32 $0xFFFFFFFF  }
0xb5: {  	_ =	strace $0x90000048  }
0xb6: {  	_ =	sfence  }
0xb7: {  	s30 =	sld [smem:$0x0];
	_ =	sdelay $0x2  }
0xb8: {  	s31 =	sshll.u32 s1, $0xD;
	s1 =	sshrl.u32 s1, $0x2  }
0xb9: {  	s3 =	sand.u32 $0x4000, s31;
	s1 =	sadd.s32 s1, s30  }
0xba: {  	s0 =	sor.u32 s3, s0;
	s1 =	sshll.u32 s1, $0x11  }
0xbb: {  	s0 =	sor.u32 s1, s0  }
0xbc: {  	s0 =	sadd.s32 $0x8F2B, s0  }
0xbd: {  	[sflag:s0] =	ssyncadd.remote.s32 $0x1  }
0xbe: {  	_ =	sfence.sel $0xFFFF  }
0xbf: {  	[dreg:$0x0] =	wrdreg $0xFFFFFFFF;
	(pc) =	sbr.abs _section_cstart, $3  }
0xc0: {  	[dreg:$0x1] =	wrdreg $0xFFFFFFFF  }
0xc1: {  	_ =	task.clear_ibuf [dreg:s7], $0x2FFFF;
	_ =	strace $0x9FFFFFFF  }
0xc2: {  	(tm) =	ssettm $0x7FFFFFFF  }
0xc3: {  	_ =	shalt  }
tec
execute0_lowered:
.L_overlay_start_1:
0x0: {  	(tag) =	ssettag $0x1  }
0x1: {  	v0 =	vimm.f32 $0.0e+00  }
0x2: {  	v1 =	vimm.s32 $0x2380;
	vm0 =	vcmask $0x300;
	v2 =	vimm.s32 $0x6380  }
0x3: {  	vm1 =	vcmask $0x704;
	v1 =	vsel vm0, $0x0, v1;
	v2 =	vsel vm0, $0x4000, v2  }
0x4: {  	vm15 =	vcmask $0xB08;
	v1 =	vsel vm1, $0x80, v1;
	v2 =	vsel vm1, $0x4080, v2  }
0x5: {  	vm4 =	vcmask $0xF0C;
	v1 =	vsel vm15, $0x100, v1;
	v2 =	vsel vm15, $0x4100, v2  }
0x6: {  	s3 =	rddreg [dreg:$0x0];
	vm5 =	vcmask $0x1310;
	v1 =	vsel vm4, $0x180, v1;
	v2 =	vsel vm4, $0x4180, v2  }
0x7: {  	s4 =	rddreg [dreg:$0x1];
	vm6 =	vcmask $0x1714;
	v1 =	vsel vm5, $0x200, v1;
	v2 =	vsel vm5, $0x4200, v2  }
0x8: {  	s0 =	rddreg [dreg:$0x2];
	s1 =	simm.s32 $0x0;
	s5 =	srdreg.scid;
	vm7 =	vcmask $0x1B18;
	v1 =	vsel vm6, $0x280, v1;
	v2 =	vsel vm6, $0x4280, v2  }
0x9: {  	s2 =	stileid.u32;
	vm8 =	vcmask $0x1F1C;
	s10 =	simm.s32 $0x8200;
	s11 =	simm.s32 $0x1;
	v1 =	vsel vm7, $0x300, v1;
	v2 =	vsel vm7, $0x4300, v2  }
0xa: {  	vm9 =	vcmask $0x2320;
	s12 =	simm.s32 $0x2;
	s13 =	simm.s32 $0x0;
	[smem:$0x7FF] =	sst s1;
	v1 =	vsel vm8, $0x380, v1;
	v2 =	vsel vm8, $0x4380, v2  }
0xb: {  	vm10 =	vcmask $0x2724;
	s5 =	sand.u32 $0x1, s5;
	s7 =	sshll.u32 s2, $0xA;
	s26 =	sadd.s32 $0x400, s4;
	v1 =	vsel vm9, $0x2000, v1;
	v2 =	vsel vm9, $0x6000, v2  }
0xc: {  	vm11 =	vcmask $0x2B28;
	s30 =	sshll.u32 s2, $0x11;
	s6 =	ssub.s32 $0x2, s5;
	s8 =	sshll.u32 s5, $0x9;
	v1 =	vsel vm10, $0x2080, v1;
	v2 =	vsel vm10, $0x6080, v2  }
0xd: {  	vm12 =	vcmask $0x2F2C;
	_ =	strace $0x80000047;
	s31 =	sshll.u32 s5, $0x10;
	s9 =	sshrl.u32 s6, $0x1;
	v1 =	vsel vm11, $0x2100, v1;
	v2 =	vsel vm11, $0x6100, v2  }
0xe: {  	vm13 =	vcmask $0x3330;
	s7 =	sor.u32 s8, s7;
	s8 =	simm.s32 $0x3;
	s6 =	ssub.s32 s6, s9;
	v1 =	vsel vm12, $0x2180, v1;
	v2 =	vsel vm12, $0x6180, v2  }
0xf: {  	vm14 =	vcmask $0x3734;
	s28 =	sshrl.u32 s7, $0x3;
	s29 =	sshll.u32 s7, $0x7;
	s7 =	sadd.s32 s30, s26;
	v1 =	vsel vm13, $0x2200, v1;
	v2 =	vsel vm13, $0x6200, v2  }
0x10: {  	vm15 =	vcmask $0x3B38;
	s9 =	simm.s32 $0x200;
	s3 =	sadd.s32 s3, s28;
	s4 =	sadd.s32 s26, s29;
	v1 =	vsel vm14, $0x2280, v1;
	v3 =	vsel vm14, $0x6280, v2  }
0x11: {  	s6 =	smax.u32 s6, $0x1;
	s7 =	sadd.s32 s31, s7;
	s5 =	sadd.s32 $0x1000, s4;
	v2 =	vimm.f32 $1.000000000e+00;
	v1 =	vsel vm15, $0x2300, v1;
	v3 =	vsel vm15, $0x6300, v3  }
.LBB2_1:
0x12: {  	[tilespmem:s1], [sflag:$0x3] =	stream.linear.gather [hbm4b:s3+s1], $0x200, $0x38;
	[tilespmem:$0x10200] =	vst v63  }
0x13: {  	_ =	swait.ge [sflag:s8], $0x200  }
0x14: {  	s14 =	simm.s32 $0xFFFF8000;
	s15 =	simm.s32 $0x0;
	[sflag:s8] =	ssyncset.done $0x0  }
0x15: {  	s16 =	simm.s32 $0x0;
	s17 =	simm.s32 $0x0;
	[sflag:s8] =	ssyncadd.s32 $0xFFFFFE00  }
.LBB2_2:
0x16: {  	s18 =	sadd.s32 $0x8000, s14  }
0x17: {  	s19 =	sand.u32 $0x380, s17;
	s18 =	sand.u32 $0x6000, s18  }
0x18: {  	s18 =	sor.u32 s19, s18  }
0x19: {  	[tilespmem:s18+$0x200] =	vst v0  }
0x1a: {  	[tilespmem:s18+$0x8200] =	vst v0  }
0x1b: {  	[tilespmem:s18+$0x210] =	vst v0  }
0x1c: {  	[tilespmem:s18+$0x8210] =	vst v0  }
0x1d: {  	[tilespmem:s18+$0x220] =	vst v0  }
0x1e: {  	[tilespmem:s18+$0x8220] =	vst v0  }
0x1f: {  	[tilespmem:s18+$0x230] =	vst v0  }
0x20: {  	[tilespmem:s18+$0x8230] =	vst v0  }
0x21: {  	[tilespmem:s18+$0x240] =	vst v0  }
0x22: {  	[tilespmem:s18+$0x8240] =	vst v0  }
0x23: {  	[tilespmem:s18+$0x250] =	vst v0  }
0x24: {  	[tilespmem:s18+$0x8250] =	vst v0  }
0x25: {  	[tilespmem:s18+$0x260] =	vst v0  }
0x26: {  	[tilespmem:s18+$0x8260] =	vst v0  }
0x27: {  	[tilespmem:s18+$0x270] =	vst v0  }
0x28: {  	[tilespmem:s18+$0x8270] =	vst v0  }
0x29: {  	[tilespmem:s18+$0x600] =	vst v0  }
0x2a: {  	[tilespmem:s18+$0x8600] =	vst v0  }
0x2b: {  	[tilespmem:s18+$0x610] =	vst v0  }
0x2c: {  	[tilespmem:s18+$0x8610] =	vst v0  }
0x2d: {  	[tilespmem:s18+$0x620] =	vst v0  }
0x2e: {  	[tilespmem:s18+$0x8620] =	vst v0  }
0x2f: {  	[tilespmem:s18+$0x630] =	vst v0  }
0x30: {  	[tilespmem:s18+$0x8630] =	vst v0  }
0x31: {  	[tilespmem:s18+$0x640] =	vst v0  }
0x32: {  	[tilespmem:s18+$0x8640] =	vst v0  }
0x33: {  	[tilespmem:s18+$0x650] =	vst v0  }
0x34: {  	[tilespmem:s18+$0x8650] =	vst v0  }
0x35: {  	[tilespmem:s18+$0x660] =	vst v0  }
0x36: {  	[tilespmem:s18+$0x8660] =	vst v0  }
0x37: {  	[tilespmem:s18+$0x670] =	vst v0  }
0x38: {  	[tilespmem:s18+$0x8670] =	vst v0  }
0x39: {  	[tilespmem:s18+$0xA00] =	vst v0  }
0x3a: {  	[tilespmem:s18+$0x8A00] =	vst v0  }
0x3b: {  	[tilespmem:s18+$0xA10] =	vst v0  }
0x3c: {  	[tilespmem:s18+$0x8A10] =	vst v0  }
0x3d: {  	[tilespmem:s18+$0xA20] =	vst v0  }
0x3e: {  	[tilespmem:s18+$0x8A20] =	vst v0  }
0x3f: {  	[tilespmem:s18+$0xA30] =	vst v0  }
0x40: {  	[tilespmem:s18+$0x8A30] =	vst v0  }
0x41: {  	[tilespmem:s18+$0xA40] =	vst v0  }
0x42: {  	[tilespmem:s18+$0x8A40] =	vst v0  }
0x43: {  	[tilespmem:s18+$0xA50] =	vst v0  }
0x44: {  	[tilespmem:s18+$0x8A50] =	vst v0  }
0x45: {  	[tilespmem:s18+$0xA60] =	vst v0  }
0x46: {  	[tilespmem:s18+$0x8A60] =	vst v0  }
0x47: {  	[tilespmem:s18+$0xA70] =	vst v0  }
0x48: {  	[tilespmem:s18+$0x8A70] =	vst v0  }
0x49: {  	[tilespmem:s18+$0xE00] =	vst v0  }
0x4a: {  	[tilespmem:s18+$0x8E00] =	vst v0  }
0x4b: {  	[tilespmem:s18+$0xE10] =	vst v0  }
0x4c: {  	[tilespmem:s18+$0x8E10] =	vst v0  }
0x4d: {  	[tilespmem:s18+$0xE20] =	vst v0  }
0x4e: {  	[tilespmem:s18+$0x8E20] =	vst v0  }
0x4f: {  	[tilespmem:s18+$0xE30] =	vst v0  }
0x50: {  	[tilespmem:s18+$0x8E30] =	vst v0  }
0x51: {  	[tilespmem:s18+$0xE40] =	vst v0  }
0x52: {  	[tilespmem:s18+$0x8E40] =	vst v0  }
0x53: {  	[tilespmem:s18+$0xE50] =	vst v0  }
0x54: {  	[tilespmem:s18+$0x8E50] =	vst v0  }
0x55: {  	[tilespmem:s18+$0xE60] =	vst v0  }
0x56: {  	[tilespmem:s18+$0x8E60] =	vst v0  }
0x57: {  	[tilespmem:s18+$0xE70] =	vst v0  }
0x58: {  	[tilespmem:s18+$0x8E70] =	vst v0  }
0x59: {  	[tilespmem:s18+$0x1200] =	vst v0  }
0x5a: {  	[tilespmem:s18+$0x9200] =	vst v0  }
0x5b: {  	[tilespmem:s18+$0x1210] =	vst v0  }
0x5c: {  	[tilespmem:s18+$0x9210] =	vst v0  }
0x5d: {  	[tilespmem:s18+$0x1220] =	vst v0  }
0x5e: {  	[tilespmem:s18+$0x9220] =	vst v0  }
0x5f: {  	[tilespmem:s18+$0x1230] =	vst v0  }
0x60: {  	[tilespmem:s18+$0x9230] =	vst v0  }
0x61: {  	[tilespmem:s18+$0x1240] =	vst v0  }
0x62: {  	[tilespmem:s18+$0x9240] =	vst v0  }
0x63: {  	[tilespmem:s18+$0x1250] =	vst v0  }
0x64: {  	[tilespmem:s18+$0x9250] =	vst v0  }
0x65: {  	[tilespmem:s18+$0x1260] =	vst v0  }
0x66: {  	[tilespmem:s18+$0x9260] =	vst v0  }
0x67: {  	[tilespmem:s18+$0x1270] =	vst v0  }
0x68: {  	[tilespmem:s18+$0x9270] =	vst v0  }
0x69: {  	[tilespmem:s18+$0x1600] =	vst v0  }
0x6a: {  	[tilespmem:s18+$0x9600] =	vst v0  }
0x6b: {  	[tilespmem:s18+$0x1610] =	vst v0  }
0x6c: {  	[tilespmem:s18+$0x9610] =	vst v0  }
0x6d: {  	[tilespmem:s18+$0x1620] =	vst v0  }
0x6e: {  	[tilespmem:s18+$0x9620] =	vst v0  }
0x6f: {  	[tilespmem:s18+$0x1630] =	vst v0  }
0x70: {  	[tilespmem:s18+$0x9630] =	vst v0  }
0x71: {  	[tilespmem:s18+$0x1640] =	vst v0  }
0x72: {  	[tilespmem:s18+$0x9640] =	vst v0  }
0x73: {  	[tilespmem:s18+$0x1650] =	vst v0  }
0x74: {  	[tilespmem:s18+$0x9650] =	vst v0  }
0x75: {  	[tilespmem:s18+$0x1660] =	vst v0  }
0x76: {  	[tilespmem:s18+$0x9660] =	vst v0  }
0x77: {  	[tilespmem:s18+$0x1670] =	vst v0  }
0x78: {  	[tilespmem:s18+$0x9670] =	vst v0  }
0x79: {  	[tilespmem:s18+$0x1A00] =	vst v0  }
0x7a: {  	[tilespmem:s18+$0x9A00] =	vst v0  }
0x7b: {  	[tilespmem:s18+$0x1A10] =	vst v0  }
0x7c: {  	[tilespmem:s18+$0x9A10] =	vst v0  }
0x7d: {  	[tilespmem:s18+$0x1A20] =	vst v0  }
0x7e: {  	[tilespmem:s18+$0x9A20] =	vst v0  }
0x7f: {  	[tilespmem:s18+$0x1A30] =	vst v0  }
0x80: {  	[tilespmem:s18+$0x9A30] =	vst v0  }
0x81: {  	[tilespmem:s18+$0x1A40] =	vst v0  }
0x82: {  	[tilespmem:s18+$0x9A40] =	vst v0  }
0x83: {  	[tilespmem:s18+$0x1A50] =	vst v0  }
0x84: {  	[tilespmem:s18+$0x9A50] =	vst v0  }
0x85: {  	s23 =	sand.u32 $0x7, s15;
	[tilespmem:s18+$0x1A60] =	vst v0  }
0x86: {  	s19 =	sshll.u32 s23, $0x7;
	[tilespmem:s18+$0x9A60] =	vst v0  }
0x87: {  	s19 =	sadd.s32 s19, s16;
	[tilespmem:s18+$0x1A70] =	vst v0  }
0x88: {  	[tilespmem:s18+$0x9A70] =	vst v0;
	s24 =	sor.u32 $0x1C00, s19  }
0x89: {  	[tilespmem:s24+$0x200] =	vst v0  }
0x8a: {  	s25 =	sor.u32 $0x1C10, s19;
	[tilespmem:s24+$0x8200] =	vst v0  }
0x8b: {  	[tilespmem:s25+$0x200] =	vst v0  }
0x8c: {  	s26 =	sor.u32 $0x1C20, s19;
	[tilespmem:s25+$0x8200] =	vst v0  }
0x8d: {  	[tilespmem:s26+$0x200] =	vst v0  }
0x8e: {  	s28 =	sor.u32 $0x1C30, s19;
	[tilespmem:s26+$0x8200] =	vst v0  }
0x8f: {  	[tilespmem:s28+$0x200] =	vst v0  }
0x90: {  	s29 =	sor.u32 $0x1C40, s19;
	[tilespmem:s28+$0x8200] =	vst v0  }
0x91: {  	p0 =	sne.s32 s17, $0xF80;
	[tilespmem:s29+$0x200] =	vst v0  }
.Ltmp0:
0x92: {  	s30 =	sor.u32 $0x1C50, s19;
	[tilespmem:s29+$0x8200] =	vst v0;
	(pc) =	sbr.rel @p0 .LBB2_2-.Ltmp0, $4  }
0x93: {  	[tilespmem:s30+$0x200] =	vst v0  }
0x94: {  	s31 =	sor.u32 $0x1C58, s19;
	[tilespmem:s30+$0x8200] =	vst v0  }
0x95: {  	s15 =	sadd.s32 $0x1, s15;
	[tilespmem:s31+$0x200] =	vst v0  }
0x96: {  	s14 =	sadd.s32 $0x400, s14;
	s17 =	sadd.s32 $0x80, s17;
	s16 =	sadd.s32 $0x400, s16;
	[tilespmem:s31+$0x8200] =	vst v0  }
0x97: {  	v4 =	vld [tilespmem:$0x0];
	_ =	sdelay $0x4  }
0x98: {  	v5 =	vshll.u32 v4, $0x3  }
0x99: {  	v4 =	vand.u32 $0x7F, v4;
	v5 =	vand.u32 $0xFFFFFC00, v5  }
0x9a: {  	v4 =	vor.u32 v4, v5  }
0x9b: {  	v4 =	vadd.s32 v1, v4;
	_ =	sdelay $0x4  }
0x9c: {  	[tilespmem:v4+s9+$0x0] =	vst.idx.msk $0xffff, v2  }
0x9d: {  	v4 =	vld [tilespmem:$0x10];
	_ =	sdelay $0x4  }
0x9e: {  	v5 =	vshll.u32 v4, $0x3  }
0x9f: {  	v4 =	vand.u32 $0x7F, v4;
	v5 =	vand.u32 $0xFFFFFC00, v5  }
0xa0: {  	v4 =	vor.u32 v4, v5  }
0xa1: {  	v4 =	vadd.s32 v3, v4;
	_ =	sdelay $0x4  }
0xa2: {  	[tilespmem:v4+s9+$0x0] =	vst.idx.msk $0xffff, v2  }
0xa3: {  	[hbm4b:s4+s1] =	stream.linear.scatter [tilespmem:s9], [sflag:$0x1], $0x8000, $0x38;
	[tilespmem:$0x10200] =	vst v63  }
0xa4: {  	v4 =	vld [tilespmem:$0x20];
	_ =	sdelay $0x4  }
0xa5: {  	v5 =	vshll.u32 v4, $0x3  }
0xa6: {  	v4 =	vand.u32 $0x7F, v4;
	v5 =	vand.u32 $0xFFFFFC00, v5  }
0xa7: {  	v4 =	vor.u32 v4, v5  }
0xa8: {  	v4 =	vadd.s32 v1, v4;
	_ =	sdelay $0x4  }
0xa9: {  	[tilespmem:v4+s10+$0x0] =	vst.idx.msk $0xffff, v2  }
0xaa: {  	v4 =	vld [tilespmem:$0x30];
	_ =	sdelay $0x4  }
0xab: {  	v5 =	vshll.u32 v4, $0x3  }
0xac: {  	v4 =	vand.u32 $0x7F, v4;
	v5 =	vand.u32 $0xFFFFFC00, v5  }
0xad: {  	v4 =	vor.u32 v4, v5  }
0xae: {  	v4 =	vadd.s32 v3, v4;
	_ =	sdelay $0x4  }
0xaf: {  	s14 =	simm.s32 $0xFFFF2000;
	s15 =	simm.s32 $0x40;
	[tilespmem:v4+s10+$0x0] =	vst.idx.msk $0xffff, v2  }
0xb0: {  	[hbm4b:s5+s1] =	stream.linear.scatter [tilespmem:s10], [sflag:$0x2], $0x8000, $0x38;
	[tilespmem:$0x10200] =	vst v63  }
.LBB2_4:
0xb1: {  	_ =	swait.ge [sflag:s11], $0x8000  }
0xb2: {  	[sflag:s11] =	ssyncset.done $0x0  }
0xb3: {  	[sflag:s11] =	ssyncadd.s32 $0xFFFF8000  }
0xb4: {  	v4 =	vld [tilespmem:s15+$0xFFFFFFC0];
	_ =	sdelay $0x4  }
0xb5: {  	v5 =	vshll.u32 v4, $0x3  }
0xb6: {  	v4 =	vand.u32 $0x7F, v4;
	v5 =	vand.u32 $0xFFFFFC00, v5  }
0xb7: {  	v4 =	vor.u32 v4, v5  }
0xb8: {  	v4 =	vadd.s32 v1, v4;
	_ =	sdelay $0x4  }
0xb9: {  	[tilespmem:v4+s9+$0x0] =	vst.idx.msk $0xffff, v0  }
0xba: {  	v4 =	vld [tilespmem:s15+$0xFFFFFFD0];
	_ =	sdelay $0x4  }
0xbb: {  	v5 =	vshll.u32 v4, $0x3  }
0xbc: {  	v4 =	vand.u32 $0x7F, v4;
	v5 =	vand.u32 $0xFFFFFC00, v5  }
0xbd: {  	v4 =	vor.u32 v4, v5  }
0xbe: {  	v4 =	vadd.s32 v3, v4;
	_ =	sdelay $0x4  }
0xbf: {  	[tilespmem:v4+s9+$0x0] =	vst.idx.msk $0xffff, v0  }
0xc0: {  	v4 =	vld [tilespmem:s15+$0x0];
	_ =	sdelay $0x4  }
0xc1: {  	v5 =	vshll.u32 v4, $0x3  }
0xc2: {  	v4 =	vand.u32 $0x7F, v4;
	v5 =	vand.u32 $0xFFFFFC00, v5  }
0xc3: {  	v4 =	vor.u32 v4, v5  }
0xc4: {  	v4 =	vadd.s32 v1, v4;
	_ =	sdelay $0x4  }
0xc5: {  	[tilespmem:v4+s9+$0x0] =	vst.idx.msk $0xffff, v2  }
0xc6: {  	v4 =	vld [tilespmem:s15+$0x10];
	_ =	sdelay $0x4  }
0xc7: {  	v5 =	vshll.u32 v4, $0x3  }
0xc8: {  	v4 =	vand.u32 $0x7F, v4;
	v5 =	vand.u32 $0xFFFFFC00, v5  }
0xc9: {  	v4 =	vor.u32 v4, v5  }
0xca: {  	v4 =	vadd.s32 v3, v4;
	_ =	sdelay $0x3  }
0xcb: {  	s16 =	sadd.s32 s14, s7  }
0xcc: {  	s17 =	sadd.s32 $0x10000, s16;
	[tilespmem:v4+s9+$0x0] =	vst.idx.msk $0xffff, v2  }
0xcd: {  	[hbm4b:s17+s1] =	stream.linear.scatter [tilespmem:s9], [sflag:$0x1], $0x8000, $0x38;
	[tilespmem:$0x10200] =	vst v63  }
0xce: {  	_ =	swait.ge [sflag:s12], $0x8000  }
0xcf: {  	[sflag:s12] =	ssyncset.done $0x0  }
0xd0: {  	[sflag:s12] =	ssyncadd.s32 $0xFFFF8000  }
0xd1: {  	v4 =	vld [tilespmem:s15+$0xFFFFFFE0];
	_ =	sdelay $0x4  }
0xd2: {  	v5 =	vshll.u32 v4, $0x3  }
0xd3: {  	v4 =	vand.u32 $0x7F, v4;
	v5 =	vand.u32 $0xFFFFFC00, v5  }
0xd4: {  	v4 =	vor.u32 v4, v5  }
0xd5: {  	v4 =	vadd.s32 v1, v4;
	_ =	sdelay $0x4  }
0xd6: {  	[tilespmem:v4+s10+$0x0] =	vst.idx.msk $0xffff, v0  }
0xd7: {  	v4 =	vld [tilespmem:s15+$0xFFFFFFF0];
	_ =	sdelay $0x4  }
0xd8: {  	v5 =	vshll.u32 v4, $0x3  }
0xd9: {  	v4 =	vand.u32 $0x7F, v4;
	v5 =	vand.u32 $0xFFFFFC00, v5  }
0xda: {  	v4 =	vor.u32 v4, v5  }
0xdb: {  	v4 =	vadd.s32 v3, v4;
	_ =	sdelay $0x4  }
0xdc: {  	[tilespmem:v4+s10+$0x0] =	vst.idx.msk $0xffff, v0  }
0xdd: {  	v4 =	vld [tilespmem:s15+$0x20];
	_ =	sdelay $0x4  }
0xde: {  	v5 =	vshll.u32 v4, $0x3  }
0xdf: {  	v4 =	vand.u32 $0x7F, v4;
	v5 =	vand.u32 $0xFFFFFC00, v5  }
0xe0: {  	v4 =	vor.u32 v4, v5  }
0xe1: {  	v4 =	vadd.s32 v1, v4;
	_ =	sdelay $0x4  }
0xe2: {  	[tilespmem:v4+s10+$0x0] =	vst.idx.msk $0xffff, v2  }
0xe3: {  	v4 =	vld [tilespmem:s15+$0x30];
	_ =	sdelay $0x4  }
0xe4: {  	v5 =	vshll.u32 v4, $0x3  }
0xe5: {  	v4 =	vand.u32 $0x7F, v4;
	v5 =	vand.u32 $0xFFFFFC00, v5  }
0xe6: {  	v4 =	vor.u32 v4, v5  }
0xe7: {  	v4 =	vadd.s32 v3, v4  }
0xe8: {  	p0 =	sne.s32 s14, $0xFFFFE000  }
.Ltmp1:
0xe9: {  	_ = 	snop;
	(pc) =	sbr.rel @p0 .LBB2_4-.Ltmp1, $3  }
0xea: {  	_ =	sdelay $0x1  }
0xeb: {  	s14 =	sadd.s32 $0x2000, s14;
	s16 =	sadd.s32 $0x11000, s16;
	s15 =	sadd.s32 $0x40, s15;
	[tilespmem:v4+s10+$0x0] =	vst.idx.msk $0xffff, v2  }
0xec: {  	[hbm4b:s16+s1] =	stream.linear.scatter [tilespmem:s10], [sflag:$0x2], $0x8000, $0x38;
	[tilespmem:$0x10200] =	vst v63  }
0xed: {  	s13 =	sadd.s32 $0x1, s13  }
0xee: {  	_ =	swait.ge [sflag:s11], $0x8000;
	p0 =	sne.s32 s13, s6  }
.Ltmp2:
0xef: {  	[sflag:s11] =	ssyncset.done $0x0;
	(pc) =	sbr.rel @p0 .LBB2_1-.Ltmp2, $4  }
0xf0: {  	[sflag:s11] =	ssyncadd.s32 $0xFFFF8000  }
0xf1: {  	_ =	swait.ge [sflag:s12], $0x8000  }
0xf2: {  	[sflag:s12] =	ssyncset.done $0x0  }
0xf3: {  	[sflag:s12] =	ssyncadd.s32 $0xFFFF8000  }
0xf4: {  	_ =	sfence.sel $0x180000  }
0xf5: {  	[bflag:$0x0] =	sbarrier.arrive $0xFFFF  }
0xf6: {  	p0 =	sne.s32 s2, $0x0;
	_ =	strace $0x90000047  }
0xf7: {  	s0 =	sadd.s32 @!p0 $0x100000, s0;
	[bflag:$0x2] =	sbarrier.arrive $0xFFFF  }
0xf8: {  	[sflag:s0] =	ssyncadd.tile.s32 @!p0 $0x1;
	_ =	shalt  }
.Lfunc_end2:
_tile_overlayer_lowered:
.L_overlay_start_2:
0xf9: {  	(tag) =	ssettag $0x2  }
0xfa: {  	s0 =	rddreg [dreg:$0x0];
	s2 =	stileid.u32  }
0xfb: {  	s1 =	rddreg [dreg:$0x1];
	p0 =	sne.s32 s2, $0x0  }
0xfc: {  	s3 =	rddreg [dreg:$0x2];
	[bflag:$0x3] =	sbarrier.arrive $0xFFFF;
	s2 =	simm.s32 @!p0 $0x1C03  }
0xfd: {  	[timem:s3], [sflag:s2] =	dma.local @!p0 [hbm:s0], s1  }
0xfe: {  	s0 =	simm.s32 @!p0 $0x3  }
0xff: {  	_ =	swait.ge @!p0 [sflag:s0], s1  }
0x100: {  	s1 =	ssub.s32 @!p0 $0x0, s1;
	[sflag:s0] =	ssyncset.done @!p0 $0x0  }
0x101: {  	[sflag:s0] =	ssyncadd.s32 @!p0 s1  }
0x102: {  	[bflag:$0x3] =	sbarrier.arrive $0xFFFF  }
0x103: {  	_ =	shalt  }

</sc_bundles>
